<compile_context>
chip_gen: v7x
topology: tpu7x:2x2x1
jax: 0.10.2.dev20260603
libtpu: 0.0.44.dev20260713+nightly
codegen_flags: <defaults>
</compile_context>

<pallas_src>
import functools

import jax
import jax.numpy as jnp
from jax import lax
from jax.experimental import pallas as pl
from jax.experimental.pallas import tpu as pltpu
from jax.experimental.pallas import tpu_sc as plsc

NC = 2
NS = 16
NW = NC * NS
DP = 128
CH = 128
NBUF = 4
S = 2


@functools.lru_cache(maxsize=None)
def _build_gather(B, V):
    assert B % (NW * CH) == 0
    b_per_w = B // NW
    steps = b_per_w // CH
    assert steps % NBUF == 0 and steps > NBUF and 0 < S < NBUF
    mesh = plsc.VectorSubcoreMesh(core_axis_name="c", subcore_axis_name="s")

    @functools.partial(
        pl.kernel,
        out_type=jax.ShapeDtypeStruct((B, DP), jnp.float32),
        mesh=mesh,
        scratch_types=[
            pltpu.VMEM((b_per_w,), jnp.int32),
            pltpu.VMEM((NBUF, CH, DP), jnp.float32),
            pltpu.SemaphoreType.DMA,
            pltpu.SemaphoreType.DMA,
        ],
        compiler_params=pltpu.CompilerParams(use_tc_tiling_on_sc=True),
    )
    def gather_kernel(idx_hbm, tab_hbm, out_hbm, idx_v, rows_v, sem_g, sem_o):
        wid = lax.axis_index("s") * NC + lax.axis_index("c")
        base = wid * b_per_w
        pltpu.sync_copy(idx_hbm.at[pl.ds(base, b_per_w)], idx_v)

        def start_gather(g, b):
            for j in range(CH // 16):
                iv = idx_v[pl.ds(g * CH + j * 16, 16)]
                pltpu.async_copy(
                    tab_hbm.at[iv], rows_v.at[b].at[pl.ds(j * 16, 16)], sem_g
                )

        def wait_gather(b):
            pltpu.make_async_copy(tab_hbm.at[pl.ds(0, CH)], rows_v.at[b], sem_g).wait()

        def start_wb(g, b):
            pltpu.async_copy(rows_v.at[b], out_hbm.at[pl.ds(base + g * CH, CH)], sem_o)

        def wait_wb(b):
            pltpu.make_async_copy(rows_v.at[b], out_hbm.at[pl.ds(base, CH)], sem_o).wait()

        for b in range(NBUF - S):
            start_gather(b, b)
        for g in range(S):
            start_gather(g + NBUF - S, (g + NBUF - S) % NBUF)
            wait_gather(g % NBUF)
            start_wb(g, g % NBUF)

        @pl.loop(0, steps - NBUF, step=NBUF)
        def _(g0):
            for j in range(NBUF):
                g = g0 + S + j
                wait_wb(j)
                start_gather(g + NBUF - S, j)
                wait_gather((j + S) % NBUF)
                start_wb(g, (j + S) % NBUF)

        for g in range(steps - NBUF + S, steps):
            wait_wb((g - S) % NBUF)
            wait_gather(g % NBUF)
            start_wb(g, g % NBUF)
        for g in range(steps - S, steps):
            wait_wb(g % NBUF)

    return gather_kernel


def kernel(x, lut):
    bt, h = x.shape
    v, d = lut.shape
    b = bt * h
    lut_padded = jnp.pad(lut, ((0, 0), (0, DP - d)))
    out = _build_gather(b, v)(x.reshape(b), lut_padded)
    return out[:, :d].reshape(bt, h, d)

# --- scband reference (transcript-rebuilt; emitter-appended) ---
"""Pipeline reference for scband-embedding-56985626083965 (READ-ONLY COPY).

The authoritative reference and input builder live on the scoring server;
editing this copy changes nothing except your own understanding.
"""

import jax, jax.numpy as jnp
import numpy as np

VOCAB = 1000000
DIM = 64
BATCH = 4096
HIST = 200

def setup_inputs(seed: int = 0) -> dict:
    key = jax.random.key(seed)
    k_idx, k_tab = jax.random.split(key)
    x = jax.random.randint(k_idx, (BATCH, HIST), 0, VOCAB, dtype=jnp.int64 if jax.config.jax_enable_x64 else jnp.int32)
    lut = jax.random.normal(k_tab, (VOCAB, DIM), dtype=jnp.float32)
    return {"x": x, "lut": lut}

def reference(x, lut):
    # Faithful to nn.Embedding: plain row gather from the table.
    return jnp.take(lut, x, axis=0)

if __name__ == "__main__":
    import jax
    _d = setup_inputs()
    print(jax.jit(kernel)(*tuple(_d.values())))

</pallas_src>

<mosaic_0001>
#map = affine_map<(d0, d1) -> (0)>
#map1 = affine_map<(d0, d1) -> (0, 0)>
module attributes {stable_mosaic.version = 14 : i64} {
  func.func @gather_kernel(%arg0: i32, %arg1: i32, %arg2: memref<819200xi32, #tpu.memory_space<hbm>>, %arg3: memref<1000000x128xf32, #tpu.memory_space<hbm>>, %arg4: memref<819200x128xf32, #tpu.memory_space<hbm>>, %arg5: memref<25600xi32, #tpu.memory_space<vmem>>, %arg6: memref<4x128x128xf32, #tpu.memory_space<vmem>>, %arg7: memref<!tpu.dma_semaphore, #tpu.memory_space<semaphore_mem>>, %arg8: memref<!tpu.dma_semaphore, #tpu.memory_space<semaphore_mem>>) attributes {dimension_semantics = [#tpu.dimension_semantics<core_parallel>, #tpu.dimension_semantics<subcore_parallel>], iteration_bounds = array<i64: 2, 16>, scalar_prefetch = 0 : i64, scratch_operands = 4 : i64, tpu.core_type = #tpu.core_type<sc_vector_subcore>, window_params = [{transform_indices = #map}, {transform_indices = #map1}, {transform_indices = #map1}]} {
    %mul3A = arith.constant 2 : i32
    %mul3A_0 = arith.muli %arg1, %mul3A : i32
    %add3A = arith.addi %mul3A_0, %arg0 : i32
    %mul3A_1 = arith.constant 25600 : i32
    %mul3A_2 = arith.muli %add3A, %mul3A_1 : i32
    "tpu.region"() ({
      %run_scoped3A = tpu.sem_alloc : memref<!tpu.dma_semaphore, #tpu.memory_space<semaphore_mem>>
      %dma_start3A_624 = tpu.memref_slice %arg2[%mul3A_2] : memref<819200xi32, #tpu.memory_space<hbm>> -> memref<25600xi32, #tpu.memory_space<hbm>>
      %dma_start3A_625 = tpu.memref_slice %arg2[%mul3A_2] : memref<819200xi32, #tpu.memory_space<hbm>> -> memref<25600xi32, #tpu.memory_space<hbm>>
      tpu.enqueue_dma source(%dma_start3A_625 : memref<25600xi32, #tpu.memory_space<hbm>>) target(%arg5 : memref<25600xi32, #tpu.memory_space<vmem>>) target_semaphore(%run_scoped3A : memref<!tpu.dma_semaphore, #tpu.memory_space<semaphore_mem>>)
      %dma_wait3A_626 = tpu.memref_slice %arg2[%mul3A_2] : memref<819200xi32, #tpu.memory_space<hbm>> -> memref<25600xi32, #tpu.memory_space<hbm>>
      %dma_wait3A_627 = tpu.memref_slice %arg2[%mul3A_2] : memref<819200xi32, #tpu.memory_space<hbm>> -> memref<25600xi32, #tpu.memory_space<hbm>>
      tpu.wait_dma2 semaphore(%run_scoped3A : memref<!tpu.dma_semaphore, #tpu.memory_space<semaphore_mem>>) src(%dma_wait3A_627 : memref<25600xi32, #tpu.memory_space<hbm>>) dst(%arg5 : memref<25600xi32, #tpu.memory_space<vmem>>)
      tpu.yield
    }) : () -> ()
    %get3A = arith.constant 0 : index
    %get3A_3 = tpu.vector_load %arg5[%get3A] {strides = array<i32>} : memref<25600xi32, #tpu.memory_space<vmem>>, vector<16xi32>,
    %get3A_4 = vector.shape_cast %get3A_3 : vector<16xi32> to vector<16xi32>
    %dma_start3A = arith.constant 0 : i32
    %dma_start3A_5 = arith.constant 0 : i32
    %dma_start3A_6 = arith.constant 0 : i32
    %dma_start3A_7 = tpu.memref_slice %arg6[%dma_start3A, %dma_start3A_5, %dma_start3A_6] : memref<4x128x128xf32, #tpu.memory_space<vmem>> -> memref<1x128x128xf32, #tpu.memory_space<vmem>>
    %dma_start3A_8 = tpu.memref_squeeze %dma_start3A_7 : memref<1x128x128xf32, #tpu.memory_space<vmem>> -> memref<128x128xf32, #tpu.memory_space<vmem>>
    %dma_start3A_9 = arith.constant 0 : i32
    %dma_start3A_10 = arith.constant 0 : i32
    %dma_start3A_11 = tpu.memref_slice %dma_start3A_8[%dma_start3A_9, %dma_start3A_10] : memref<128x128xf32, #tpu.memory_space<vmem>> -> memref<16x128xf32, #tpu.memory_space<vmem>>
    %dma_start3A_12 = arith.constant 0 : i32
    %dma_start3A_13 = arith.constant 0 : i32
    %dma_start3A_14 = tpu.memref_slice %arg3[%dma_start3A_12, %dma_start3A_13] : memref<1000000x128xf32, #tpu.memory_space<hbm>> -> memref<1000000x128xf32, #tpu.memory_space<hbm>>
    tpu.enqueue_indirect_dma source(%dma_start3A_14 : memref<1000000x128xf32, #tpu.memory_space<hbm>>) target(%dma_start3A_11 : memref<16x128xf32, #tpu.memory_space<vmem>>) offsets(%get3A_4 : vector<16xi32>) semaphore(%arg7 : memref<!tpu.dma_semaphore, #tpu.memory_space<semaphore_mem>>)
    %get3A_15 = arith.constant 16 : index
    %get3A_16 = tpu.vector_load %arg5[%get3A_15] {strides = array<i32>} : memref<25600xi32, #tpu.memory_space<vmem>>, vector<16xi32>,
    %get3A_17 = vector.shape_cast %get3A_16 : vector<16xi32> to vector<16xi32>
    %dma_start3A_18 = arith.constant 0 : i32
    %dma_start3A_19 = arith.constant 0 : i32
    %dma_start3A_20 = arith.constant 0 : i32
    %dma_start3A_21 = tpu.memref_slice %arg6[%dma_start3A_18, %dma_start3A_19, %dma_start3A_20] : memref<4x128x128xf32, #tpu.memory_space<vmem>> -> memref<1x128x128xf32, #tpu.memory_space<vmem>>
    %dma_start3A_22 = tpu.memref_squeeze %dma_start3A_21 : memref<1x128x128xf32, #tpu.memory_space<vmem>> -> memref<128x128xf32, #tpu.memory_space<vmem>>
    %dma_start3A_23 = arith.constant 16 : i32
    %dma_start3A_24 = arith.constant 0 : i32
    %dma_start3A_25 = tpu.memref_slice %dma_start3A_22[%dma_start3A_23, %dma_start3A_24] : memref<128x128xf32, #tpu.memory_space<vmem>> -> memref<16x128xf32, #tpu.memory_space<vmem>>
    %dma_start3A_26 = arith.constant 0 : i32
    %dma_start3A_27 = arith.constant 0 : i32
    %dma_start3A_28 = tpu.memref_slice %arg3[%dma_start3A_26, %dma_start3A_27] : memref<1000000x128xf32, #tpu.memory_space<hbm>> -> memref<1000000x128xf32, #tpu.memory_space<hbm>>
    tpu.enqueue_indirect_dma source(%dma_start3A_28 : memref<1000000x128xf32, #tpu.memory_space<hbm>>) target(%dma_start3A_25 : memref<16x128xf32, #tpu.memory_space<vmem>>) offsets(%get3A_17 : vector<16xi32>) semaphore(%arg7 : memref<!tpu.dma_semaphore, #tpu.memory_space<semaphore_mem>>)
    %get3A_29 = arith.constant 32 : index
    %get3A_30 = tpu.vector_load %arg5[%get3A_29] {strides = array<i32>} : memref<25600xi32, #tpu.memory_space<vmem>>, vector<16xi32>,
    %get3A_31 = vector.shape_cast %get3A_30 : vector<16xi32> to vector<16xi32>
    %dma_start3A_32 = arith.constant 0 : i32
    %dma_start3A_33 = arith.constant 0 : i32
    %dma_start3A_34 = arith.constant 0 : i32
    %dma_start3A_35 = tpu.memref_slice %arg6[%dma_start3A_32, %dma_start3A_33, %dma_start3A_34] : memref<4x128x128xf32, #tpu.memory_space<vmem>> -> memref<1x128x128xf32, #tpu.memory_space<vmem>>
    %dma_start3A_36 = tpu.memref_squeeze %dma_start3A_35 : memref<1x128x128xf32, #tpu.memory_space<vmem>> -> memref<128x128xf32, #tpu.memory_space<vmem>>
    %dma_start3A_37 = arith.constant 32 : i32
    %dma_start3A_38 = arith.constant 0 : i32
    %dma_start3A_39 = tpu.memref_slice %dma_start3A_36[%dma_start3A_37, %dma_start3A_38] : memref<128x128xf32, #tpu.memory_space<vmem>> -> memref<16x128xf32, #tpu.memory_space<vmem>>
    %dma_start3A_40 = arith.constant 0 : i32
    %dma_start3A_41 = arith.constant 0 : i32
    %dma_start3A_42 = tpu.memref_slice %arg3[%dma_start3A_40, %dma_start3A_41] : memref<1000000x128xf32, #tpu.memory_space<hbm>> -> memref<1000000x128xf32, #tpu.memory_space<hbm>>
    tpu.enqueue_indirect_dma source(%dma_start3A_42 : memref<1000000x128xf32, #tpu.memory_space<hbm>>) target(%dma_start3A_39 : memref<16x128xf32, #tpu.memory_space<vmem>>) offsets(%get3A_31 : vector<16xi32>) semaphore(%arg7 : memref<!tpu.dma_semaphore, #tpu.memory_space<semaphore_mem>>)
    %get3A_43 = arith.constant 48 : index
    %get3A_44 = tpu.vector_load %arg5[%get3A_43] {strides = array<i32>} : memref<25600xi32, #tpu.memory_space<vmem>>, vector<16xi32>,
    %get3A_45 = vector.shape_cast %get3A_44 : vector<16xi32> to vector<16xi32>
    %dma_start3A_46 = arith.constant 0 : i32
    %dma_start3A_47 = arith.constant 0 : i32
    %dma_start3A_48 = arith.constant 0 : i32
    %dma_start3A_49 = tpu.memref_slice %arg6[%dma_start3A_46, %dma_start3A_47, %dma_start3A_48] : memref<4x128x128xf32, #tpu.memory_space<vmem>> -> memref<1x128x128xf32, #tpu.memory_space<vmem>>
    %dma_start3A_50 = tpu.memref_squeeze %dma_start3A_49 : memref<1x128x128xf32, #tpu.memory_space<vmem>> -> memref<128x128xf32, #tpu.memory_space<vmem>>
    %dma_start3A_51 = arith.constant 48 : i32
    %dma_start3A_52 = arith.constant 0 : i32
    %dma_start3A_53 = tpu.memref_slice %dma_start3A_50[%dma_start3A_51, %dma_start3A_52] : memref<128x128xf32, #tpu.memory_space<vmem>> -> memref<16x128xf32, #tpu.memory_space<vmem>>
    %dma_start3A_54 = arith.constant 0 : i32
    %dma_start3A_55 = arith.constant 0 : i32
    %dma_start3A_56 = tpu.memref_slice %arg3[%dma_start3A_54, %dma_start3A_55] : memref<1000000x128xf32, #tpu.memory_space<hbm>> -> memref<1000000x128xf32, #tpu.memory_space<hbm>>
    tpu.enqueue_indirect_dma source(%dma_start3A_56 : memref<1000000x128xf32, #tpu.memory_space<hbm>>) target(%dma_start3A_53 : memref<16x128xf32, #tpu.memory_space<vmem>>) offsets(%get3A_45 : vector<16xi32>) semaphore(%arg7 : memref<!tpu.dma_semaphore, #tpu.memory_space<semaphore_mem>>)
    %get3A_57 = arith.constant 64 : index
    %get3A_58 = tpu.vector_load %arg5[%get3A_57] {strides = array<i32>} : memref<25600xi32, #tpu.memory_space<vmem>>, vector<16xi32>,
    %get3A_59 = vector.shape_cast %get3A_58 : vector<16xi32> to vector<16xi32>
    %dma_start3A_60 = arith.constant 0 : i32
    %dma_start3A_61 = arith.constant 0 : i32
    %dma_start3A_62 = arith.constant 0 : i32
    %dma_start3A_63 = tpu.memref_slice %arg6[%dma_start3A_60, %dma_start3A_61, %dma_start3A_62] : memref<4x128x128xf32, #tpu.memory_space<vmem>> -> memref<1x128x128xf32, #tpu.memory_space<vmem>>
    %dma_start3A_64 = tpu.memref_squeeze %dma_start3A_63 : memref<1x128x128xf32, #tpu.memory_space<vmem>> -> memref<128x128xf32, #tpu.memory_space<vmem>>
    %dma_start3A_65 = arith.constant 64 : i32
    %dma_start3A_66 = arith.constant 0 : i32
    %dma_start3A_67 = tpu.memref_slice %dma_start3A_64[%dma_start3A_65, %dma_start3A_66] : memref<128x128xf32, #tpu.memory_space<vmem>> -> memref<16x128xf32, #tpu.memory_space<vmem>>
    %dma_start3A_68 = arith.constant 0 : i32
    %dma_start3A_69 = arith.constant 0 : i32
    %dma_start3A_70 = tpu.memref_slice %arg3[%dma_start3A_68, %dma_start3A_69] : memref<1000000x128xf32, #tpu.memory_space<hbm>> -> memref<1000000x128xf32, #tpu.memory_space<hbm>>
    tpu.enqueue_indirect_dma source(%dma_start3A_70 : memref<1000000x128xf32, #tpu.memory_space<hbm>>) target(%dma_start3A_67 : memref<16x128xf32, #tpu.memory_space<vmem>>) offsets(%get3A_59 : vector<16xi32>) semaphore(%arg7 : memref<!tpu.dma_semaphore, #tpu.memory_space<semaphore_mem>>)
    %get3A_71 = arith.constant 80 : index
    %get3A_72 = tpu.vector_load %arg5[%get3A_71] {strides = array<i32>} : memref<25600xi32, #tpu.memory_space<vmem>>, vector<16xi32>,
    %get3A_73 = vector.shape_cast %get3A_72 : vector<16xi32> to vector<16xi32>
    %dma_start3A_74 = arith.constant 0 : i32
    %dma_start3A_75 = arith.constant 0 : i32
    %dma_start3A_76 = arith.constant 0 : i32
    %dma_start3A_77 = tpu.memref_slice %arg6[%dma_start3A_74, %dma_start3A_75, %dma_start3A_76] : memref<4x128x128xf32, #tpu.memory_space<vmem>> -> memref<1x128x128xf32, #tpu.memory_space<vmem>>
    %dma_start3A_78 = tpu.memref_squeeze %dma_start3A_77 : memref<1x128x128xf32, #tpu.memory_space<vmem>> -> memref<128x128xf32, #tpu.memory_space<vmem>>
    %dma_start3A_79 = arith.constant 80 : i32
    %dma_start3A_80 = arith.constant 0 : i32
    %dma_start3A_81 = tpu.memref_slice %dma_start3A_78[%dma_start3A_79, %dma_start3A_80] : memref<128x128xf32, #tpu.memory_space<vmem>> -> memref<16x128xf32, #tpu.memory_space<vmem>>
    %dma_start3A_82 = arith.constant 0 : i32
    %dma_start3A_83 = arith.constant 0 : i32
    %dma_start3A_84 = tpu.memref_slice %arg3[%dma_start3A_82, %dma_start3A_83] : memref<1000000x128xf32, #tpu.memory_space<hbm>> -> memref<1000000x128xf32, #tpu.memory_space<hbm>>
    tpu.enqueue_indirect_dma source(%dma_start3A_84 : memref<1000000x128xf32, #tpu.memory_space<hbm>>) target(%dma_start3A_81 : memref<16x128xf32, #tpu.memory_space<vmem>>) offsets(%get3A_73 : vector<16xi32>) semaphore(%arg7 : memref<!tpu.dma_semaphore, #tpu.memory_space<semaphore_mem>>)
    %get3A_85 = arith.constant 96 : index
    %get3A_86 = tpu.vector_load %arg5[%get3A_85] {strides = array<i32>} : memref<25600xi32, #tpu.memory_space<vmem>>, vector<16xi32>,
    %get3A_87 = vector.shape_cast %get3A_86 : vector<16xi32> to vector<16xi32>
    %dma_start3A_88 = arith.constant 0 : i32
    %dma_start3A_89 = arith.constant 0 : i32
    %dma_start3A_90 = arith.constant 0 : i32
    %dma_start3A_91 = tpu.memref_slice %arg6[%dma_start3A_88, %dma_start3A_89, %dma_start3A_90] : memref<4x128x128xf32, #tpu.memory_space<vmem>> -> memref<1x128x128xf32, #tpu.memory_space<vmem>>
    %dma_start3A_92 = tpu.memref_squeeze %dma_start3A_91 : memref<1x128x128xf32, #tpu.memory_space<vmem>> -> memref<128x128xf32, #tpu.memory_space<vmem>>
    %dma_start3A_93 = arith.constant 96 : i32
    %dma_start3A_94 = arith.constant 0 : i32
    %dma_start3A_95 = tpu.memref_slice %dma_start3A_92[%dma_start3A_93, %dma_start3A_94] : memref<128x128xf32, #tpu.memory_space<vmem>> -> memref<16x128xf32, #tpu.memory_space<vmem>>
    %dma_start3A_96 = arith.constant 0 : i32
    %dma_start3A_97 = arith.constant 0 : i32
    %dma_start3A_98 = tpu.memref_slice %arg3[%dma_start3A_96, %dma_start3A_97] : memref<1000000x128xf32, #tpu.memory_space<hbm>> -> memref<1000000x128xf32, #tpu.memory_space<hbm>>
    tpu.enqueue_indirect_dma source(%dma_start3A_98 : memref<1000000x128xf32, #tpu.memory_space<hbm>>) target(%dma_start3A_95 : memref<16x128xf32, #tpu.memory_space<vmem>>) offsets(%get3A_87 : vector<16xi32>) semaphore(%arg7 : memref<!tpu.dma_semaphore, #tpu.memory_space<semaphore_mem>>)
    %get3A_99 = arith.constant 112 : index
    %get3A_100 = tpu.vector_load %arg5[%get3A_99] {strides = array<i32>} : memref<25600xi32, #tpu.memory_space<vmem>>, vector<16xi32>,
    %get3A_101 = vector.shape_cast %get3A_100 : vector<16xi32> to vector<16xi32>
    %dma_start3A_102 = arith.constant 0 : i32
    %dma_start3A_103 = arith.constant 0 : i32
    %dma_start3A_104 = arith.constant 0 : i32
    %dma_start3A_105 = tpu.memref_slice %arg6[%dma_start3A_102, %dma_start3A_103, %dma_start3A_104] : memref<4x128x128xf32, #tpu.memory_space<vmem>> -> memref<1x128x128xf32, #tpu.memory_space<vmem>>
    %dma_start3A_106 = tpu.memref_squeeze %dma_start3A_105 : memref<1x128x128xf32, #tpu.memory_space<vmem>> -> memref<128x128xf32, #tpu.memory_space<vmem>>
    %dma_start3A_107 = arith.constant 112 : i32
    %dma_start3A_108 = arith.constant 0 : i32
    %dma_start3A_109 = tpu.memref_slice %dma_start3A_106[%dma_start3A_107, %dma_start3A_108] : memref<128x128xf32, #tpu.memory_space<vmem>> -> memref<16x128xf32, #tpu.memory_space<vmem>>
    %dma_start3A_110 = arith.constant 0 : i32
    %dma_start3A_111 = arith.constant 0 : i32
    %dma_start3A_112 = tpu.memref_slice %arg3[%dma_start3A_110, %dma_start3A_111] : memref<1000000x128xf32, #tpu.memory_space<hbm>> -> memref<1000000x128xf32, #tpu.memory_space<hbm>>
    tpu.enqueue_indirect_dma source(%dma_start3A_112 : memref<1000000x128xf32, #tpu.memory_space<hbm>>) target(%dma_start3A_109 : memref<16x128xf32, #tpu.memory_space<vmem>>) offsets(%get3A_101 : vector<16xi32>) semaphore(%arg7 : memref<!tpu.dma_semaphore, #tpu.memory_space<semaphore_mem>>)
    %get3A_113 = arith.constant 128 : index
    %get3A_114 = tpu.vector_load %arg5[%get3A_113] {strides = array<i32>} : memref<25600xi32, #tpu.memory_space<vmem>>, vector<16xi32>,
    %get3A_115 = vector.shape_cast %get3A_114 : vector<16xi32> to vector<16xi32>
    %dma_start3A_116 = arith.constant 1 : i32
    %dma_start3A_117 = arith.constant 0 : i32
    %dma_start3A_118 = arith.constant 0 : i32
    %dma_start3A_119 = tpu.memref_slice %arg6[%dma_start3A_116, %dma_start3A_117, %dma_start3A_118] : memref<4x128x128xf32, #tpu.memory_space<vmem>> -> memref<1x128x128xf32, #tpu.memory_space<vmem>>
    %dma_start3A_120 = tpu.memref_squeeze %dma_start3A_119 : memref<1x128x128xf32, #tpu.memory_space<vmem>> -> memref<128x128xf32, #tpu.memory_space<vmem>>
    %dma_start3A_121 = arith.constant 0 : i32
    %dma_start3A_122 = arith.constant 0 : i32
    %dma_start3A_123 = tpu.memref_slice %dma_start3A_120[%dma_start3A_121, %dma_start3A_122] : memref<128x128xf32, #tpu.memory_space<vmem>> -> memref<16x128xf32, #tpu.memory_space<vmem>>
    %dma_start3A_124 = arith.constant 0 : i32
    %dma_start3A_125 = arith.constant 0 : i32
    %dma_start3A_126 = tpu.memref_slice %arg3[%dma_start3A_124, %dma_start3A_125] : memref<1000000x128xf32, #tpu.memory_space<hbm>> -> memref<1000000x128xf32, #tpu.memory_space<hbm>>
    tpu.enqueue_indirect_dma source(%dma_start3A_126 : memref<1000000x128xf32, #tpu.memory_space<hbm>>) target(%dma_start3A_123 : memref<16x128xf32, #tpu.memory_space<vmem>>) offsets(%get3A_115 : vector<16xi32>) semaphore(%arg7 : memref<!tpu.dma_semaphore, #tpu.memory_space<semaphore_mem>>)
    %get3A_127 = arith.constant 144 : index
    %get3A_128 = tpu.vector_load %arg5[%get3A_127] {strides = array<i32>} : memref<25600xi32, #tpu.memory_space<vmem>>, vector<16xi32>,
    %get3A_129 = vector.shape_cast %get3A_128 : vector<16xi32> to vector<16xi32>
    %dma_start3A_130 = arith.constant 1 : i32
    %dma_start3A_131 = arith.constant 0 : i32
    %dma_start3A_132 = arith.constant 0 : i32
    %dma_start3A_133 = tpu.memref_slice %arg6[%dma_start3A_130, %dma_start3A_131, %dma_start3A_132] : memref<4x128x128xf32, #tpu.memory_space<vmem>> -> memref<1x128x128xf32, #tpu.memory_space<vmem>>
    %dma_start3A_134 = tpu.memref_squeeze %dma_start3A_133 : memref<1x128x128xf32, #tpu.memory_space<vmem>> -> memref<128x128xf32, #tpu.memory_space<vmem>>
    %dma_start3A_135 = arith.constant 16 : i32
    %dma_start3A_136 = arith.constant 0 : i32
    %dma_start3A_137 = tpu.memref_slice %dma_start3A_134[%dma_start3A_135, %dma_start3A_136] : memref<128x128xf32, #tpu.memory_space<vmem>> -> memref<16x128xf32, #tpu.memory_space<vmem>>
    %dma_start3A_138 = arith.constant 0 : i32
    %dma_start3A_139 = arith.constant 0 : i32
    %dma_start3A_140 = tpu.memref_slice %arg3[%dma_start3A_138, %dma_start3A_139] : memref<1000000x128xf32, #tpu.memory_space<hbm>> -> memref<1000000x128xf32, #tpu.memory_space<hbm>>
    tpu.enqueue_indirect_dma source(%dma_start3A_140 : memref<1000000x128xf32, #tpu.memory_space<hbm>>) target(%dma_start3A_137 : memref<16x128xf32, #tpu.memory_space<vmem>>) offsets(%get3A_129 : vector<16xi32>) semaphore(%arg7 : memref<!tpu.dma_semaphore, #tpu.memory_space<semaphore_mem>>)
    %get3A_141 = arith.constant 160 : index
    %get3A_142 = tpu.vector_load %arg5[%get3A_141] {strides = array<i32>} : memref<25600xi32, #tpu.memory_space<vmem>>, vector<16xi32>,
    %get3A_143 = vector.shape_cast %get3A_142 : vector<16xi32> to vector<16xi32>
    %dma_start3A_144 = arith.constant 1 : i32
    %dma_start3A_145 = arith.constant 0 : i32
    %dma_start3A_146 = arith.constant 0 : i32
    %dma_start3A_147 = tpu.memref_slice %arg6[%dma_start3A_144, %dma_start3A_145, %dma_start3A_146] : memref<4x128x128xf32, #tpu.memory_space<vmem>> -> memref<1x128x128xf32, #tpu.memory_space<vmem>>
    %dma_start3A_148 = tpu.memref_squeeze %dma_start3A_147 : memref<1x128x128xf32, #tpu.memory_space<vmem>> -> memref<128x128xf32, #tpu.memory_space<vmem>>
    %dma_start3A_149 = arith.constant 32 : i32
    %dma_start3A_150 = arith.constant 0 : i32
    %dma_start3A_151 = tpu.memref_slice %dma_start3A_148[%dma_start3A_149, %dma_start3A_150] : memref<128x128xf32, #tpu.memory_space<vmem>> -> memref<16x128xf32, #tpu.memory_space<vmem>>
    %dma_start3A_152 = arith.constant 0 : i32
    %dma_start3A_153 = arith.constant 0 : i32
    %dma_start3A_154 = tpu.memref_slice %arg3[%dma_start3A_152, %dma_start3A_153] : memref<1000000x128xf32, #tpu.memory_space<hbm>> -> memref<1000000x128xf32, #tpu.memory_space<hbm>>
    tpu.enqueue_indirect_dma source(%dma_start3A_154 : memref<1000000x128xf32, #tpu.memory_space<hbm>>) target(%dma_start3A_151 : memref<16x128xf32, #tpu.memory_space<vmem>>) offsets(%get3A_143 : vector<16xi32>) semaphore(%arg7 : memref<!tpu.dma_semaphore, #tpu.memory_space<semaphore_mem>>)
    %get3A_155 = arith.constant 176 : index
    %get3A_156 = tpu.vector_load %arg5[%get3A_155] {strides = array<i32>} : memref<25600xi32, #tpu.memory_space<vmem>>, vector<16xi32>,
    %get3A_157 = vector.shape_cast %get3A_156 : vector<16xi32> to vector<16xi32>
    %dma_start3A_158 = arith.constant 1 : i32
    %dma_start3A_159 = arith.constant 0 : i32
    %dma_start3A_160 = arith.constant 0 : i32
    %dma_start3A_161 = tpu.memref_slice %arg6[%dma_start3A_158, %dma_start3A_159, %dma_start3A_160] : memref<4x128x128xf32, #tpu.memory_space<vmem>> -> memref<1x128x128xf32, #tpu.memory_space<vmem>>
    %dma_start3A_162 = tpu.memref_squeeze %dma_start3A_161 : memref<1x128x128xf32, #tpu.memory_space<vmem>> -> memref<128x128xf32, #tpu.memory_space<vmem>>
    %dma_start3A_163 = arith.constant 48 : i32
    %dma_start3A_164 = arith.constant 0 : i32
    %dma_start3A_165 = tpu.memref_slice %dma_start3A_162[%dma_start3A_163, %dma_start3A_164] : memref<128x128xf32, #tpu.memory_space<vmem>> -> memref<16x128xf32, #tpu.memory_space<vmem>>
    %dma_start3A_166 = arith.constant 0 : i32
    %dma_start3A_167 = arith.constant 0 : i32
    %dma_start3A_168 = tpu.memref_slice %arg3[%dma_start3A_166, %dma_start3A_167] : memref<1000000x128xf32, #tpu.memory_space<hbm>> -> memref<1000000x128xf32, #tpu.memory_space<hbm>>
    tpu.enqueue_indirect_dma source(%dma_start3A_168 : memref<1000000x128xf32, #tpu.memory_space<hbm>>) target(%dma_start3A_165 : memref<16x128xf32, #tpu.memory_space<vmem>>) offsets(%get3A_157 : vector<16xi32>) semaphore(%arg7 : memref<!tpu.dma_semaphore, #tpu.memory_space<semaphore_mem>>)
    %get3A_169 = arith.constant 192 : index
    %get3A_170 = tpu.vector_load %arg5[%get3A_169] {strides = array<i32>} : memref<25600xi32, #tpu.memory_space<vmem>>, vector<16xi32>,
    %get3A_171 = vector.shape_cast %get3A_170 : vector<16xi32> to vector<16xi32>
    %dma_start3A_172 = arith.constant 1 : i32
    %dma_start3A_173 = arith.constant 0 : i32
    %dma_start3A_174 = arith.constant 0 : i32
    %dma_start3A_175 = tpu.memref_slice %arg6[%dma_start3A_172, %dma_start3A_173, %dma_start3A_174] : memref<4x128x128xf32, #tpu.memory_space<vmem>> -> memref<1x128x128xf32, #tpu.memory_space<vmem>>
    %dma_start3A_176 = tpu.memref_squeeze %dma_start3A_175 : memref<1x128x128xf32, #tpu.memory_space<vmem>> -> memref<128x128xf32, #tpu.memory_space<vmem>>
    %dma_start3A_177 = arith.constant 64 : i32
    %dma_start3A_178 = arith.constant 0 : i32
    %dma_start3A_179 = tpu.memref_slice %dma_start3A_176[%dma_start3A_177, %dma_start3A_178] : memref<128x128xf32, #tpu.memory_space<vmem>> -> memref<16x128xf32, #tpu.memory_space<vmem>>
    %dma_start3A_180 = arith.constant 0 : i32
    %dma_start3A_181 = arith.constant 0 : i32
    %dma_start3A_182 = tpu.memref_slice %arg3[%dma_start3A_180, %dma_start3A_181] : memref<1000000x128xf32, #tpu.memory_space<hbm>> -> memref<1000000x128xf32, #tpu.memory_space<hbm>>
    tpu.enqueue_indirect_dma source(%dma_start3A_182 : memref<1000000x128xf32, #tpu.memory_space<hbm>>) target(%dma_start3A_179 : memref<16x128xf32, #tpu.memory_space<vmem>>) offsets(%get3A_171 : vector<16xi32>) semaphore(%arg7 : memref<!tpu.dma_semaphore, #tpu.memory_space<semaphore_mem>>)
    %get3A_183 = arith.constant 208 : index
    %get3A_184 = tpu.vector_load %arg5[%get3A_183] {strides = array<i32>} : memref<25600xi32, #tpu.memory_space<vmem>>, vector<16xi32>,
    %get3A_185 = vector.shape_cast %get3A_184 : vector<16xi32> to vector<16xi32>
    %dma_start3A_186 = arith.constant 1 : i32
    %dma_start3A_187 = arith.constant 0 : i32
    %dma_start3A_188 = arith.constant 0 : i32
    %dma_start3A_189 = tpu.memref_slice %arg6[%dma_start3A_186, %dma_start3A_187, %dma_start3A_188] : memref<4x128x128xf32, #tpu.memory_space<vmem>> -> memref<1x128x128xf32, #tpu.memory_space<vmem>>
    %dma_start3A_190 = tpu.memref_squeeze %dma_start3A_189 : memref<1x128x128xf32, #tpu.memory_space<vmem>> -> memref<128x128xf32, #tpu.memory_space<vmem>>
    %dma_start3A_191 = arith.constant 80 : i32
    %dma_start3A_192 = arith.constant 0 : i32
    %dma_start3A_193 = tpu.memref_slice %dma_start3A_190[%dma_start3A_191, %dma_start3A_192] : memref<128x128xf32, #tpu.memory_space<vmem>> -> memref<16x128xf32, #tpu.memory_space<vmem>>
    %dma_start3A_194 = arith.constant 0 : i32
    %dma_start3A_195 = arith.constant 0 : i32
    %dma_start3A_196 = tpu.memref_slice %arg3[%dma_start3A_194, %dma_start3A_195] : memref<1000000x128xf32, #tpu.memory_space<hbm>> -> memref<1000000x128xf32, #tpu.memory_space<hbm>>
    tpu.enqueue_indirect_dma source(%dma_start3A_196 : memref<1000000x128xf32, #tpu.memory_space<hbm>>) target(%dma_start3A_193 : memref<16x128xf32, #tpu.memory_space<vmem>>) offsets(%get3A_185 : vector<16xi32>) semaphore(%arg7 : memref<!tpu.dma_semaphore, #tpu.memory_space<semaphore_mem>>)
    %get3A_197 = arith.constant 224 : index
    %get3A_198 = tpu.vector_load %arg5[%get3A_197] {strides = array<i32>} : memref<25600xi32, #tpu.memory_space<vmem>>, vector<16xi32>,
    %get3A_199 = vector.shape_cast %get3A_198 : vector<16xi32> to vector<16xi32>
    %dma_start3A_200 = arith.constant 1 : i32
    %dma_start3A_201 = arith.constant 0 : i32
    %dma_start3A_202 = arith.constant 0 : i32
    %dma_start3A_203 = tpu.memref_slice %arg6[%dma_start3A_200, %dma_start3A_201, %dma_start3A_202] : memref<4x128x128xf32, #tpu.memory_space<vmem>> -> memref<1x128x128xf32, #tpu.memory_space<vmem>>
    %dma_start3A_204 = tpu.memref_squeeze %dma_start3A_203 : memref<1x128x128xf32, #tpu.memory_space<vmem>> -> memref<128x128xf32, #tpu.memory_space<vmem>>
    %dma_start3A_205 = arith.constant 96 : i32
    %dma_start3A_206 = arith.constant 0 : i32
    %dma_start3A_207 = tpu.memref_slice %dma_start3A_204[%dma_start3A_205, %dma_start3A_206] : memref<128x128xf32, #tpu.memory_space<vmem>> -> memref<16x128xf32, #tpu.memory_space<vmem>>
    %dma_start3A_208 = arith.constant 0 : i32
    %dma_start3A_209 = arith.constant 0 : i32
    %dma_start3A_210 = tpu.memref_slice %arg3[%dma_start3A_208, %dma_start3A_209] : memref<1000000x128xf32, #tpu.memory_space<hbm>> -> memref<1000000x128xf32, #tpu.memory_space<hbm>>
    tpu.enqueue_indirect_dma source(%dma_start3A_210 : memref<1000000x128xf32, #tpu.memory_space<hbm>>) target(%dma_start3A_207 : memref<16x128xf32, #tpu.memory_space<vmem>>) offsets(%get3A_199 : vector<16xi32>) semaphore(%arg7 : memref<!tpu.dma_semaphore, #tpu.memory_space<semaphore_mem>>)
    %get3A_211 = arith.constant 240 : index
    %get3A_212 = tpu.vector_load %arg5[%get3A_211] {strides = array<i32>} : memref<25600xi32, #tpu.memory_space<vmem>>, vector<16xi32>,
    %get3A_213 = vector.shape_cast %get3A_212 : vector<16xi32> to vector<16xi32>
    %dma_start3A_214 = arith.constant 1 : i32
    %dma_start3A_215 = arith.constant 0 : i32
    %dma_start3A_216 = arith.constant 0 : i32
    %dma_start3A_217 = tpu.memref_slice %arg6[%dma_start3A_214, %dma_start3A_215, %dma_start3A_216] : memref<4x128x128xf32, #tpu.memory_space<vmem>> -> memref<1x128x128xf32, #tpu.memory_space<vmem>>
    %dma_start3A_218 = tpu.memref_squeeze %dma_start3A_217 : memref<1x128x128xf32, #tpu.memory_space<vmem>> -> memref<128x128xf32, #tpu.memory_space<vmem>>
    %dma_start3A_219 = arith.constant 112 : i32
    %dma_start3A_220 = arith.constant 0 : i32
    %dma_start3A_221 = tpu.memref_slice %dma_start3A_218[%dma_start3A_219, %dma_start3A_220] : memref<128x128xf32, #tpu.memory_space<vmem>> -> memref<16x128xf32, #tpu.memory_space<vmem>>
    %dma_start3A_222 = arith.constant 0 : i32
    %dma_start3A_223 = arith.constant 0 : i32
    %dma_start3A_224 = tpu.memref_slice %arg3[%dma_start3A_222, %dma_start3A_223] : memref<1000000x128xf32, #tpu.memory_space<hbm>> -> memref<1000000x128xf32, #tpu.memory_space<hbm>>
    tpu.enqueue_indirect_dma source(%dma_start3A_224 : memref<1000000x128xf32, #tpu.memory_space<hbm>>) target(%dma_start3A_221 : memref<16x128xf32, #tpu.memory_space<vmem>>) offsets(%get3A_213 : vector<16xi32>) semaphore(%arg7 : memref<!tpu.dma_semaphore, #tpu.memory_space<semaphore_mem>>)
    %get3A_225 = arith.constant 256 : index
    %get3A_226 = tpu.vector_load %arg5[%get3A_225] {strides = array<i32>} : memref<25600xi32, #tpu.memory_space<vmem>>, vector<16xi32>,
    %get3A_227 = vector.shape_cast %get3A_226 : vector<16xi32> to vector<16xi32>
    %dma_start3A_228 = arith.constant 2 : i32
    %dma_start3A_229 = arith.constant 0 : i32
    %dma_start3A_230 = arith.constant 0 : i32
    %dma_start3A_231 = tpu.memref_slice %arg6[%dma_start3A_228, %dma_start3A_229, %dma_start3A_230] : memref<4x128x128xf32, #tpu.memory_space<vmem>> -> memref<1x128x128xf32, #tpu.memory_space<vmem>>
    %dma_start3A_232 = tpu.memref_squeeze %dma_start3A_231 : memref<1x128x128xf32, #tpu.memory_space<vmem>> -> memref<128x128xf32, #tpu.memory_space<vmem>>
    %dma_start3A_233 = arith.constant 0 : i32
    %dma_start3A_234 = arith.constant 0 : i32
    %dma_start3A_235 = tpu.memref_slice %dma_start3A_232[%dma_start3A_233, %dma_start3A_234] : memref<128x128xf32, #tpu.memory_space<vmem>> -> memref<16x128xf32, #tpu.memory_space<vmem>>
    %dma_start3A_236 = arith.constant 0 : i32
    %dma_start3A_237 = arith.constant 0 : i32
    %dma_start3A_238 = tpu.memref_slice %arg3[%dma_start3A_236, %dma_start3A_237] : memref<1000000x128xf32, #tpu.memory_space<hbm>> -> memref<1000000x128xf32, #tpu.memory_space<hbm>>
    tpu.enqueue_indirect_dma source(%dma_start3A_238 : memref<1000000x128xf32, #tpu.memory_space<hbm>>) target(%dma_start3A_235 : memref<16x128xf32, #tpu.memory_space<vmem>>) offsets(%get3A_227 : vector<16xi32>) semaphore(%arg7 : memref<!tpu.dma_semaphore, #tpu.memory_space<semaphore_mem>>)
    %get3A_239 = arith.constant 272 : index
    %get3A_240 = tpu.vector_load %arg5[%get3A_239] {strides = array<i32>} : memref<25600xi32, #tpu.memory_space<vmem>>, vector<16xi32>,
    %get3A_241 = vector.shape_cast %get3A_240 : vector<16xi32> to vector<16xi32>
    %dma_start3A_242 = arith.constant 2 : i32
    %dma_start3A_243 = arith.constant 0 : i32
    %dma_start3A_244 = arith.constant 0 : i32
    %dma_start3A_245 = tpu.memref_slice %arg6[%dma_start3A_242, %dma_start3A_243, %dma_start3A_244] : memref<4x128x128xf32, #tpu.memory_space<vmem>> -> memref<1x128x128xf32, #tpu.memory_space<vmem>>
    %dma_start3A_246 = tpu.memref_squeeze %dma_start3A_245 : memref<1x128x128xf32, #tpu.memory_space<vmem>> -> memref<128x128xf32, #tpu.memory_space<vmem>>
    %dma_start3A_247 = arith.constant 16 : i32
    %dma_start3A_248 = arith.constant 0 : i32
    %dma_start3A_249 = tpu.memref_slice %dma_start3A_246[%dma_start3A_247, %dma_start3A_248] : memref<128x128xf32, #tpu.memory_space<vmem>> -> memref<16x128xf32, #tpu.memory_space<vmem>>
    %dma_start3A_250 = arith.constant 0 : i32
    %dma_start3A_251 = arith.constant 0 : i32
    %dma_start3A_252 = tpu.memref_slice %arg3[%dma_start3A_250, %dma_start3A_251] : memref<1000000x128xf32, #tpu.memory_space<hbm>> -> memref<1000000x128xf32, #tpu.memory_space<hbm>>
    tpu.enqueue_indirect_dma source(%dma_start3A_252 : memref<1000000x128xf32, #tpu.memory_space<hbm>>) target(%dma_start3A_249 : memref<16x128xf32, #tpu.memory_space<vmem>>) offsets(%get3A_241 : vector<16xi32>) semaphore(%arg7 : memref<!tpu.dma_semaphore, #tpu.memory_space<semaphore_mem>>)
    %get3A_253 = arith.constant 288 : index
    %get3A_254 = tpu.vector_load %arg5[%get3A_253] {strides = array<i32>} : memref<25600xi32, #tpu.memory_space<vmem>>, vector<16xi32>,
    %get3A_255 = vector.shape_cast %get3A_254 : vector<16xi32> to vector<16xi32>
    %dma_start3A_256 = arith.constant 2 : i32
    %dma_start3A_257 = arith.constant 0 : i32
    %dma_start3A_258 = arith.constant 0 : i32
    %dma_start3A_259 = tpu.memref_slice %arg6[%dma_start3A_256, %dma_start3A_257, %dma_start3A_258] : memref<4x128x128xf32, #tpu.memory_space<vmem>> -> memref<1x128x128xf32, #tpu.memory_space<vmem>>
    %dma_start3A_260 = tpu.memref_squeeze %dma_start3A_259 : memref<1x128x128xf32, #tpu.memory_space<vmem>> -> memref<128x128xf32, #tpu.memory_space<vmem>>
    %dma_start3A_261 = arith.constant 32 : i32
    %dma_start3A_262 = arith.constant 0 : i32
    %dma_start3A_263 = tpu.memref_slice %dma_start3A_260[%dma_start3A_261, %dma_start3A_262] : memref<128x128xf32, #tpu.memory_space<vmem>> -> memref<16x128xf32, #tpu.memory_space<vmem>>
    %dma_start3A_264 = arith.constant 0 : i32
    %dma_start3A_265 = arith.constant 0 : i32
    %dma_start3A_266 = tpu.memref_slice %arg3[%dma_start3A_264, %dma_start3A_265] : memref<1000000x128xf32, #tpu.memory_space<hbm>> -> memref<1000000x128xf32, #tpu.memory_space<hbm>>
    tpu.enqueue_indirect_dma source(%dma_start3A_266 : memref<1000000x128xf32, #tpu.memory_space<hbm>>) target(%dma_start3A_263 : memref<16x128xf32, #tpu.memory_space<vmem>>) offsets(%get3A_255 : vector<16xi32>) semaphore(%arg7 : memref<!tpu.dma_semaphore, #tpu.memory_space<semaphore_mem>>)
    %get3A_267 = arith.constant 304 : index
    %get3A_268 = tpu.vector_load %arg5[%get3A_267] {strides = array<i32>} : memref<25600xi32, #tpu.memory_space<vmem>>, vector<16xi32>,
    %get3A_269 = vector.shape_cast %get3A_268 : vector<16xi32> to vector<16xi32>
    %dma_start3A_270 = arith.constant 2 : i32
    %dma_start3A_271 = arith.constant 0 : i32
    %dma_start3A_272 = arith.constant 0 : i32
    %dma_start3A_273 = tpu.memref_slice %arg6[%dma_start3A_270, %dma_start3A_271, %dma_start3A_272] : memref<4x128x128xf32, #tpu.memory_space<vmem>> -> memref<1x128x128xf32, #tpu.memory_space<vmem>>
    %dma_start3A_274 = tpu.memref_squeeze %dma_start3A_273 : memref<1x128x128xf32, #tpu.memory_space<vmem>> -> memref<128x128xf32, #tpu.memory_space<vmem>>
    %dma_start3A_275 = arith.constant 48 : i32
    %dma_start3A_276 = arith.constant 0 : i32
    %dma_start3A_277 = tpu.memref_slice %dma_start3A_274[%dma_start3A_275, %dma_start3A_276] : memref<128x128xf32, #tpu.memory_space<vmem>> -> memref<16x128xf32, #tpu.memory_space<vmem>>
    %dma_start3A_278 = arith.constant 0 : i32
    %dma_start3A_279 = arith.constant 0 : i32
    %dma_start3A_280 = tpu.memref_slice %arg3[%dma_start3A_278, %dma_start3A_279] : memref<1000000x128xf32, #tpu.memory_space<hbm>> -> memref<1000000x128xf32, #tpu.memory_space<hbm>>
    tpu.enqueue_indirect_dma source(%dma_start3A_280 : memref<1000000x128xf32, #tpu.memory_space<hbm>>) target(%dma_start3A_277 : memref<16x128xf32, #tpu.memory_space<vmem>>) offsets(%get3A_269 : vector<16xi32>) semaphore(%arg7 : memref<!tpu.dma_semaphore, #tpu.memory_space<semaphore_mem>>)
    %get3A_281 = arith.constant 320 : index
    %get3A_282 = tpu.vector_load %arg5[%get3A_281] {strides = array<i32>} : memref<25600xi32, #tpu.memory_space<vmem>>, vector<16xi32>,
    %get3A_283 = vector.shape_cast %get3A_282 : vector<16xi32> to vector<16xi32>
    %dma_start3A_284 = arith.constant 2 : i32
    %dma_start3A_285 = arith.constant 0 : i32
    %dma_start3A_286 = arith.constant 0 : i32
    %dma_start3A_287 = tpu.memref_slice %arg6[%dma_start3A_284, %dma_start3A_285, %dma_start3A_286] : memref<4x128x128xf32, #tpu.memory_space<vmem>> -> memref<1x128x128xf32, #tpu.memory_space<vmem>>
    %dma_start3A_288 = tpu.memref_squeeze %dma_start3A_287 : memref<1x128x128xf32, #tpu.memory_space<vmem>> -> memref<128x128xf32, #tpu.memory_space<vmem>>
    %dma_start3A_289 = arith.constant 64 : i32
    %dma_start3A_290 = arith.constant 0 : i32
    %dma_start3A_291 = tpu.memref_slice %dma_start3A_288[%dma_start3A_289, %dma_start3A_290] : memref<128x128xf32, #tpu.memory_space<vmem>> -> memref<16x128xf32, #tpu.memory_space<vmem>>
    %dma_start3A_292 = arith.constant 0 : i32
    %dma_start3A_293 = arith.constant 0 : i32
    %dma_start3A_294 = tpu.memref_slice %arg3[%dma_start3A_292, %dma_start3A_293] : memref<1000000x128xf32, #tpu.memory_space<hbm>> -> memref<1000000x128xf32, #tpu.memory_space<hbm>>
    tpu.enqueue_indirect_dma source(%dma_start3A_294 : memref<1000000x128xf32, #tpu.memory_space<hbm>>) target(%dma_start3A_291 : memref<16x128xf32, #tpu.memory_space<vmem>>) offsets(%get3A_283 : vector<16xi32>) semaphore(%arg7 : memref<!tpu.dma_semaphore, #tpu.memory_space<semaphore_mem>>)
    %get3A_295 = arith.constant 336 : index
    %get3A_296 = tpu.vector_load %arg5[%get3A_295] {strides = array<i32>} : memref<25600xi32, #tpu.memory_space<vmem>>, vector<16xi32>,
    %get3A_297 = vector.shape_cast %get3A_296 : vector<16xi32> to vector<16xi32>
    %dma_start3A_298 = arith.constant 2 : i32
    %dma_start3A_299 = arith.constant 0 : i32
    %dma_start3A_300 = arith.constant 0 : i32
    %dma_start3A_301 = tpu.memref_slice %arg6[%dma_start3A_298, %dma_start3A_299, %dma_start3A_300] : memref<4x128x128xf32, #tpu.memory_space<vmem>> -> memref<1x128x128xf32, #tpu.memory_space<vmem>>
    %dma_start3A_302 = tpu.memref_squeeze %dma_start3A_301 : memref<1x128x128xf32, #tpu.memory_space<vmem>> -> memref<128x128xf32, #tpu.memory_space<vmem>>
    %dma_start3A_303 = arith.constant 80 : i32
    %dma_start3A_304 = arith.constant 0 : i32
    %dma_start3A_305 = tpu.memref_slice %dma_start3A_302[%dma_start3A_303, %dma_start3A_304] : memref<128x128xf32, #tpu.memory_space<vmem>> -> memref<16x128xf32, #tpu.memory_space<vmem>>
    %dma_start3A_306 = arith.constant 0 : i32
    %dma_start3A_307 = arith.constant 0 : i32
    %dma_start3A_308 = tpu.memref_slice %arg3[%dma_start3A_306, %dma_start3A_307] : memref<1000000x128xf32, #tpu.memory_space<hbm>> -> memref<1000000x128xf32, #tpu.memory_space<hbm>>
    tpu.enqueue_indirect_dma source(%dma_start3A_308 : memref<1000000x128xf32, #tpu.memory_space<hbm>>) target(%dma_start3A_305 : memref<16x128xf32, #tpu.memory_space<vmem>>) offsets(%get3A_297 : vector<16xi32>) semaphore(%arg7 : memref<!tpu.dma_semaphore, #tpu.memory_space<semaphore_mem>>)
    %get3A_309 = arith.constant 352 : index
    %get3A_310 = tpu.vector_load %arg5[%get3A_309] {strides = array<i32>} : memref<25600xi32, #tpu.memory_space<vmem>>, vector<16xi32>,
    %get3A_311 = vector.shape_cast %get3A_310 : vector<16xi32> to vector<16xi32>
    %dma_start3A_312 = arith.constant 2 : i32
    %dma_start3A_313 = arith.constant 0 : i32
    %dma_start3A_314 = arith.constant 0 : i32
    %dma_start3A_315 = tpu.memref_slice %arg6[%dma_start3A_312, %dma_start3A_313, %dma_start3A_314] : memref<4x128x128xf32, #tpu.memory_space<vmem>> -> memref<1x128x128xf32, #tpu.memory_space<vmem>>
    %dma_start3A_316 = tpu.memref_squeeze %dma_start3A_315 : memref<1x128x128xf32, #tpu.memory_space<vmem>> -> memref<128x128xf32, #tpu.memory_space<vmem>>
    %dma_start3A_317 = arith.constant 96 : i32
    %dma_start3A_318 = arith.constant 0 : i32
    %dma_start3A_319 = tpu.memref_slice %dma_start3A_316[%dma_start3A_317, %dma_start3A_318] : memref<128x128xf32, #tpu.memory_space<vmem>> -> memref<16x128xf32, #tpu.memory_space<vmem>>
    %dma_start3A_320 = arith.constant 0 : i32
    %dma_start3A_321 = arith.constant 0 : i32
    %dma_start3A_322 = tpu.memref_slice %arg3[%dma_start3A_320, %dma_start3A_321] : memref<1000000x128xf32, #tpu.memory_space<hbm>> -> memref<1000000x128xf32, #tpu.memory_space<hbm>>
    tpu.enqueue_indirect_dma source(%dma_start3A_322 : memref<1000000x128xf32, #tpu.memory_space<hbm>>) target(%dma_start3A_319 : memref<16x128xf32, #tpu.memory_space<vmem>>) offsets(%get3A_311 : vector<16xi32>) semaphore(%arg7 : memref<!tpu.dma_semaphore, #tpu.memory_space<semaphore_mem>>)
    %get3A_323 = arith.constant 368 : index
    %get3A_324 = tpu.vector_load %arg5[%get3A_323] {strides = array<i32>} : memref<25600xi32, #tpu.memory_space<vmem>>, vector<16xi32>,
    %get3A_325 = vector.shape_cast %get3A_324 : vector<16xi32> to vector<16xi32>
    %dma_start3A_326 = arith.constant 2 : i32
    %dma_start3A_327 = arith.constant 0 : i32
    %dma_start3A_328 = arith.constant 0 : i32
    %dma_start3A_329 = tpu.memref_slice %arg6[%dma_start3A_326, %dma_start3A_327, %dma_start3A_328] : memref<4x128x128xf32, #tpu.memory_space<vmem>> -> memref<1x128x128xf32, #tpu.memory_space<vmem>>
    %dma_start3A_330 = tpu.memref_squeeze %dma_start3A_329 : memref<1x128x128xf32, #tpu.memory_space<vmem>> -> memref<128x128xf32, #tpu.memory_space<vmem>>
    %dma_start3A_331 = arith.constant 112 : i32
    %dma_start3A_332 = arith.constant 0 : i32
    %dma_start3A_333 = tpu.memref_slice %dma_start3A_330[%dma_start3A_331, %dma_start3A_332] : memref<128x128xf32, #tpu.memory_space<vmem>> -> memref<16x128xf32, #tpu.memory_space<vmem>>
    %dma_start3A_334 = arith.constant 0 : i32
    %dma_start3A_335 = arith.constant 0 : i32
    %dma_start3A_336 = tpu.memref_slice %arg3[%dma_start3A_334, %dma_start3A_335] : memref<1000000x128xf32, #tpu.memory_space<hbm>> -> memref<1000000x128xf32, #tpu.memory_space<hbm>>
    tpu.enqueue_indirect_dma source(%dma_start3A_336 : memref<1000000x128xf32, #tpu.memory_space<hbm>>) target(%dma_start3A_333 : memref<16x128xf32, #tpu.memory_space<vmem>>) offsets(%get3A_325 : vector<16xi32>) semaphore(%arg7 : memref<!tpu.dma_semaphore, #tpu.memory_space<semaphore_mem>>)
    %dma_wait3A = arith.constant 0 : i32
    %dma_wait3A_337 = arith.constant 0 : i32
    %dma_wait3A_338 = arith.constant 0 : i32
    %dma_wait3A_339 = tpu.memref_slice %arg6[%dma_wait3A, %dma_wait3A_337, %dma_wait3A_338] : memref<4x128x128xf32, #tpu.memory_space<vmem>> -> memref<1x128x128xf32, #tpu.memory_space<vmem>>
    %dma_wait3A_340 = tpu.memref_squeeze %dma_wait3A_339 : memref<1x128x128xf32, #tpu.memory_space<vmem>> -> memref<128x128xf32, #tpu.memory_space<vmem>>
    %dma_wait3A_341 = arith.constant 0 : i32
    %dma_wait3A_342 = arith.constant 0 : i32
    %dma_wait3A_343 = tpu.memref_slice %arg3[%dma_wait3A_341, %dma_wait3A_342] : memref<1000000x128xf32, #tpu.memory_space<hbm>> -> memref<128x128xf32, #tpu.memory_space<hbm>>
    %dma_wait3A_344 = arith.constant 0 : i32
    %dma_wait3A_345 = arith.constant 0 : i32
    %dma_wait3A_346 = tpu.memref_slice %arg6[%dma_wait3A, %dma_wait3A_344, %dma_wait3A_345] : memref<4x128x128xf32, #tpu.memory_space<vmem>> -> memref<1x128x128xf32, #tpu.memory_space<vmem>>
    %dma_wait3A_347 = tpu.memref_squeeze %dma_wait3A_346 : memref<1x128x128xf32, #tpu.memory_space<vmem>> -> memref<128x128xf32, #tpu.memory_space<vmem>>
    %dma_wait3A_348 = arith.constant 0 : i32
    %dma_wait3A_349 = arith.constant 0 : i32
    %dma_wait3A_350 = tpu.memref_slice %arg3[%dma_wait3A_348, %dma_wait3A_349] : memref<1000000x128xf32, #tpu.memory_space<hbm>> -> memref<128x128xf32, #tpu.memory_space<hbm>>
    tpu.wait_dma2 semaphore(%arg7 : memref<!tpu.dma_semaphore, #tpu.memory_space<semaphore_mem>>) src(%dma_wait3A_350 : memref<128x128xf32, #tpu.memory_space<hbm>>) dst(%dma_wait3A_347 : memref<128x128xf32, #tpu.memory_space<vmem>>)
    %add3A_351 = arith.constant 0 : i32
    %add3A_352 = arith.addi %mul3A_2, %add3A_351 : i32
    %dma_start3A_353 = arith.constant 0 : i32
    %dma_start3A_354 = arith.constant 0 : i32
    %dma_start3A_355 = arith.constant 0 : i32
    %dma_start3A_356 = tpu.memref_slice %arg6[%dma_start3A_353, %dma_start3A_354, %dma_start3A_355] : memref<4x128x128xf32, #tpu.memory_space<vmem>> -> memref<1x128x128xf32, #tpu.memory_space<vmem>>
    %dma_start3A_357 = tpu.memref_squeeze %dma_start3A_356 : memref<1x128x128xf32, #tpu.memory_space<vmem>> -> memref<128x128xf32, #tpu.memory_space<vmem>>
    %dma_start3A_358 = arith.constant 0 : i32
    %dma_start3A_359 = tpu.memref_slice %arg4[%add3A_352, %dma_start3A_358] : memref<819200x128xf32, #tpu.memory_space<hbm>> -> memref<128x128xf32, #tpu.memory_space<hbm>>
    %dma_start3A_360 = arith.constant 0 : i32
    %dma_start3A_361 = tpu.memref_slice %arg4[%add3A_352, %dma_start3A_360] : memref<819200x128xf32, #tpu.memory_space<hbm>> -> memref<128x128xf32, #tpu.memory_space<hbm>>
    %dma_start3A_362 = arith.constant 0 : i32
    %dma_start3A_363 = arith.constant 0 : i32
    %dma_start3A_364 = tpu.memref_slice %arg6[%dma_start3A_353, %dma_start3A_362, %dma_start3A_363] : memref<4x128x128xf32, #tpu.memory_space<vmem>> -> memref<1x128x128xf32, #tpu.memory_space<vmem>>
    %dma_start3A_365 = tpu.memref_squeeze %dma_start3A_364 : memref<1x128x128xf32, #tpu.memory_space<vmem>> -> memref<128x128xf32, #tpu.memory_space<vmem>>
    tpu.enqueue_dma source(%dma_start3A_365 : memref<128x128xf32, #tpu.memory_space<vmem>>) target(%dma_start3A_361 : memref<128x128xf32, #tpu.memory_space<hbm>>) target_semaphore(%arg8 : memref<!tpu.dma_semaphore, #tpu.memory_space<semaphore_mem>>)
    %get3A_366 = arith.constant 384 : index
    %get3A_367 = tpu.vector_load %arg5[%get3A_366] {strides = array<i32>} : memref<25600xi32, #tpu.memory_space<vmem>>, vector<16xi32>,
    %get3A_368 = vector.shape_cast %get3A_367 : vector<16xi32> to vector<16xi32>
    %dma_start3A_369 = arith.constant 3 : i32
    %dma_start3A_370 = arith.constant 0 : i32
    %dma_start3A_371 = arith.constant 0 : i32
    %dma_start3A_372 = tpu.memref_slice %arg6[%dma_start3A_369, %dma_start3A_370, %dma_start3A_371] : memref<4x128x128xf32, #tpu.memory_space<vmem>> -> memref<1x128x128xf32, #tpu.memory_space<vmem>>
    %dma_start3A_373 = tpu.memref_squeeze %dma_start3A_372 : memref<1x128x128xf32, #tpu.memory_space<vmem>> -> memref<128x128xf32, #tpu.memory_space<vmem>>
    %dma_start3A_374 = arith.constant 0 : i32
    %dma_start3A_375 = arith.constant 0 : i32
    %dma_start3A_376 = tpu.memref_slice %dma_start3A_373[%dma_start3A_374, %dma_start3A_375] : memref<128x128xf32, #tpu.memory_space<vmem>> -> memref<16x128xf32, #tpu.memory_space<vmem>>
    %dma_start3A_377 = arith.constant 0 : i32
    %dma_start3A_378 = arith.constant 0 : i32
    %dma_start3A_379 = tpu.memref_slice %arg3[%dma_start3A_377, %dma_start3A_378] : memref<1000000x128xf32, #tpu.memory_space<hbm>> -> memref<1000000x128xf32, #tpu.memory_space<hbm>>
    tpu.enqueue_indirect_dma source(%dma_start3A_379 : memref<1000000x128xf32, #tpu.memory_space<hbm>>) target(%dma_start3A_376 : memref<16x128xf32, #tpu.memory_space<vmem>>) offsets(%get3A_368 : vector<16xi32>) semaphore(%arg7 : memref<!tpu.dma_semaphore, #tpu.memory_space<semaphore_mem>>)
    %get3A_380 = arith.constant 400 : index
    %get3A_381 = tpu.vector_load %arg5[%get3A_380] {strides = array<i32>} : memref<25600xi32, #tpu.memory_space<vmem>>, vector<16xi32>,
    %get3A_382 = vector.shape_cast %get3A_381 : vector<16xi32> to vector<16xi32>
    %dma_start3A_383 = arith.constant 3 : i32
    %dma_start3A_384 = arith.constant 0 : i32
    %dma_start3A_385 = arith.constant 0 : i32
    %dma_start3A_386 = tpu.memref_slice %arg6[%dma_start3A_383, %dma_start3A_384, %dma_start3A_385] : memref<4x128x128xf32, #tpu.memory_space<vmem>> -> memref<1x128x128xf32, #tpu.memory_space<vmem>>
    %dma_start3A_387 = tpu.memref_squeeze %dma_start3A_386 : memref<1x128x128xf32, #tpu.memory_space<vmem>> -> memref<128x128xf32, #tpu.memory_space<vmem>>
    %dma_start3A_388 = arith.constant 16 : i32
    %dma_start3A_389 = arith.constant 0 : i32
    %dma_start3A_390 = tpu.memref_slice %dma_start3A_387[%dma_start3A_388, %dma_start3A_389] : memref<128x128xf32, #tpu.memory_space<vmem>> -> memref<16x128xf32, #tpu.memory_space<vmem>>
    %dma_start3A_391 = arith.constant 0 : i32
    %dma_start3A_392 = arith.constant 0 : i32
    %dma_start3A_393 = tpu.memref_slice %arg3[%dma_start3A_391, %dma_start3A_392] : memref<1000000x128xf32, #tpu.memory_space<hbm>> -> memref<1000000x128xf32, #tpu.memory_space<hbm>>
    tpu.enqueue_indirect_dma source(%dma_start3A_393 : memref<1000000x128xf32, #tpu.memory_space<hbm>>) target(%dma_start3A_390 : memref<16x128xf32, #tpu.memory_space<vmem>>) offsets(%get3A_382 : vector<16xi32>) semaphore(%arg7 : memref<!tpu.dma_semaphore, #tpu.memory_space<semaphore_mem>>)
    %get3A_394 = arith.constant 416 : index
    %get3A_395 = tpu.vector_load %arg5[%get3A_394] {strides = array<i32>} : memref<25600xi32, #tpu.memory_space<vmem>>, vector<16xi32>,
    %get3A_396 = vector.shape_cast %get3A_395 : vector<16xi32> to vector<16xi32>
    %dma_start3A_397 = arith.constant 3 : i32
    %dma_start3A_398 = arith.constant 0 : i32
    %dma_start3A_399 = arith.constant 0 : i32
    %dma_start3A_400 = tpu.memref_slice %arg6[%dma_start3A_397, %dma_start3A_398, %dma_start3A_399] : memref<4x128x128xf32, #tpu.memory_space<vmem>> -> memref<1x128x128xf32, #tpu.memory_space<vmem>>
    %dma_start3A_401 = tpu.memref_squeeze %dma_start3A_400 : memref<1x128x128xf32, #tpu.memory_space<vmem>> -> memref<128x128xf32, #tpu.memory_space<vmem>>
    %dma_start3A_402 = arith.constant 32 : i32
    %dma_start3A_403 = arith.constant 0 : i32
    %dma_start3A_404 = tpu.memref_slice %dma_start3A_401[%dma_start3A_402, %dma_start3A_403] : memref<128x128xf32, #tpu.memory_space<vmem>> -> memref<16x128xf32, #tpu.memory_space<vmem>>
    %dma_start3A_405 = arith.constant 0 : i32
    %dma_start3A_406 = arith.constant 0 : i32
    %dma_start3A_407 = tpu.memref_slice %arg3[%dma_start3A_405, %dma_start3A_406] : memref<1000000x128xf32, #tpu.memory_space<hbm>> -> memref<1000000x128xf32, #tpu.memory_space<hbm>>
    tpu.enqueue_indirect_dma source(%dma_start3A_407 : memref<1000000x128xf32, #tpu.memory_space<hbm>>) target(%dma_start3A_404 : memref<16x128xf32, #tpu.memory_space<vmem>>) offsets(%get3A_396 : vector<16xi32>) semaphore(%arg7 : memref<!tpu.dma_semaphore, #tpu.memory_space<semaphore_mem>>)
    %get3A_408 = arith.constant 432 : index
    %get3A_409 = tpu.vector_load %arg5[%get3A_408] {strides = array<i32>} : memref<25600xi32, #tpu.memory_space<vmem>>, vector<16xi32>,
    %get3A_410 = vector.shape_cast %get3A_409 : vector<16xi32> to vector<16xi32>
    %dma_start3A_411 = arith.constant 3 : i32
    %dma_start3A_412 = arith.constant 0 : i32
    %dma_start3A_413 = arith.constant 0 : i32
    %dma_start3A_414 = tpu.memref_slice %arg6[%dma_start3A_411, %dma_start3A_412, %dma_start3A_413] : memref<4x128x128xf32, #tpu.memory_space<vmem>> -> memref<1x128x128xf32, #tpu.memory_space<vmem>>
    %dma_start3A_415 = tpu.memref_squeeze %dma_start3A_414 : memref<1x128x128xf32, #tpu.memory_space<vmem>> -> memref<128x128xf32, #tpu.memory_space<vmem>>
    %dma_start3A_416 = arith.constant 48 : i32
    %dma_start3A_417 = arith.constant 0 : i32
    %dma_start3A_418 = tpu.memref_slice %dma_start3A_415[%dma_start3A_416, %dma_start3A_417] : memref<128x128xf32, #tpu.memory_space<vmem>> -> memref<16x128xf32, #tpu.memory_space<vmem>>
    %dma_start3A_419 = arith.constant 0 : i32
    %dma_start3A_420 = arith.constant 0 : i32
    %dma_start3A_421 = tpu.memref_slice %arg3[%dma_start3A_419, %dma_start3A_420] : memref<1000000x128xf32, #tpu.memory_space<hbm>> -> memref<1000000x128xf32, #tpu.memory_space<hbm>>
    tpu.enqueue_indirect_dma source(%dma_start3A_421 : memref<1000000x128xf32, #tpu.memory_space<hbm>>) target(%dma_start3A_418 : memref<16x128xf32, #tpu.memory_space<vmem>>) offsets(%get3A_410 : vector<16xi32>) semaphore(%arg7 : memref<!tpu.dma_semaphore, #tpu.memory_space<semaphore_mem>>)
    %get3A_422 = arith.constant 448 : index
    %get3A_423 = tpu.vector_load %arg5[%get3A_422] {strides = array<i32>} : memref<25600xi32, #tpu.memory_space<vmem>>, vector<16xi32>,
    %get3A_424 = vector.shape_cast %get3A_423 : vector<16xi32> to vector<16xi32>
    %dma_start3A_425 = arith.constant 3 : i32
    %dma_start3A_426 = arith.constant 0 : i32
    %dma_start3A_427 = arith.constant 0 : i32
    %dma_start3A_428 = tpu.memref_slice %arg6[%dma_start3A_425, %dma_start3A_426, %dma_start3A_427] : memref<4x128x128xf32, #tpu.memory_space<vmem>> -> memref<1x128x128xf32, #tpu.memory_space<vmem>>
    %dma_start3A_429 = tpu.memref_squeeze %dma_start3A_428 : memref<1x128x128xf32, #tpu.memory_space<vmem>> -> memref<128x128xf32, #tpu.memory_space<vmem>>
    %dma_start3A_430 = arith.constant 64 : i32
    %dma_start3A_431 = arith.constant 0 : i32
    %dma_start3A_432 = tpu.memref_slice %dma_start3A_429[%dma_start3A_430, %dma_start3A_431] : memref<128x128xf32, #tpu.memory_space<vmem>> -> memref<16x128xf32, #tpu.memory_space<vmem>>
    %dma_start3A_433 = arith.constant 0 : i32
    %dma_start3A_434 = arith.constant 0 : i32
    %dma_start3A_435 = tpu.memref_slice %arg3[%dma_start3A_433, %dma_start3A_434] : memref<1000000x128xf32, #tpu.memory_space<hbm>> -> memref<1000000x128xf32, #tpu.memory_space<hbm>>
    tpu.enqueue_indirect_dma source(%dma_start3A_435 : memref<1000000x128xf32, #tpu.memory_space<hbm>>) target(%dma_start3A_432 : memref<16x128xf32, #tpu.memory_space<vmem>>) offsets(%get3A_424 : vector<16xi32>) semaphore(%arg7 : memref<!tpu.dma_semaphore, #tpu.memory_space<semaphore_mem>>)
    %get3A_436 = arith.constant 464 : index
    %get3A_437 = tpu.vector_load %arg5[%get3A_436] {strides = array<i32>} : memref<25600xi32, #tpu.memory_space<vmem>>, vector<16xi32>,
    %get3A_438 = vector.shape_cast %get3A_437 : vector<16xi32> to vector<16xi32>
    %dma_start3A_439 = arith.constant 3 : i32
    %dma_start3A_440 = arith.constant 0 : i32
    %dma_start3A_441 = arith.constant 0 : i32
    %dma_start3A_442 = tpu.memref_slice %arg6[%dma_start3A_439, %dma_start3A_440, %dma_start3A_441] : memref<4x128x128xf32, #tpu.memory_space<vmem>> -> memref<1x128x128xf32, #tpu.memory_space<vmem>>
    %dma_start3A_443 = tpu.memref_squeeze %dma_start3A_442 : memref<1x128x128xf32, #tpu.memory_space<vmem>> -> memref<128x128xf32, #tpu.memory_space<vmem>>
    %dma_start3A_444 = arith.constant 80 : i32
    %dma_start3A_445 = arith.constant 0 : i32
    %dma_start3A_446 = tpu.memref_slice %dma_start3A_443[%dma_start3A_444, %dma_start3A_445] : memref<128x128xf32, #tpu.memory_space<vmem>> -> memref<16x128xf32, #tpu.memory_space<vmem>>
    %dma_start3A_447 = arith.constant 0 : i32
    %dma_start3A_448 = arith.constant 0 : i32
    %dma_start3A_449 = tpu.memref_slice %arg3[%dma_start3A_447, %dma_start3A_448] : memref<1000000x128xf32, #tpu.memory_space<hbm>> -> memref<1000000x128xf32, #tpu.memory_space<hbm>>
    tpu.enqueue_indirect_dma source(%dma_start3A_449 : memref<1000000x128xf32, #tpu.memory_space<hbm>>) target(%dma_start3A_446 : memref<16x128xf32, #tpu.memory_space<vmem>>) offsets(%get3A_438 : vector<16xi32>) semaphore(%arg7 : memref<!tpu.dma_semaphore, #tpu.memory_space<semaphore_mem>>)
    %get3A_450 = arith.constant 480 : index
    %get3A_451 = tpu.vector_load %arg5[%get3A_450] {strides = array<i32>} : memref<25600xi32, #tpu.memory_space<vmem>>, vector<16xi32>,
    %get3A_452 = vector.shape_cast %get3A_451 : vector<16xi32> to vector<16xi32>
    %dma_start3A_453 = arith.constant 3 : i32
    %dma_start3A_454 = arith.constant 0 : i32
    %dma_start3A_455 = arith.constant 0 : i32
    %dma_start3A_456 = tpu.memref_slice %arg6[%dma_start3A_453, %dma_start3A_454, %dma_start3A_455] : memref<4x128x128xf32, #tpu.memory_space<vmem>> -> memref<1x128x128xf32, #tpu.memory_space<vmem>>
    %dma_start3A_457 = tpu.memref_squeeze %dma_start3A_456 : memref<1x128x128xf32, #tpu.memory_space<vmem>> -> memref<128x128xf32, #tpu.memory_space<vmem>>
    %dma_start3A_458 = arith.constant 96 : i32
    %dma_start3A_459 = arith.constant 0 : i32
    %dma_start3A_460 = tpu.memref_slice %dma_start3A_457[%dma_start3A_458, %dma_start3A_459] : memref<128x128xf32, #tpu.memory_space<vmem>> -> memref<16x128xf32, #tpu.memory_space<vmem>>
    %dma_start3A_461 = arith.constant 0 : i32
    %dma_start3A_462 = arith.constant 0 : i32
    %dma_start3A_463 = tpu.memref_slice %arg3[%dma_start3A_461, %dma_start3A_462] : memref<1000000x128xf32, #tpu.memory_space<hbm>> -> memref<1000000x128xf32, #tpu.memory_space<hbm>>
    tpu.enqueue_indirect_dma source(%dma_start3A_463 : memref<1000000x128xf32, #tpu.memory_space<hbm>>) target(%dma_start3A_460 : memref<16x128xf32, #tpu.memory_space<vmem>>) offsets(%get3A_452 : vector<16xi32>) semaphore(%arg7 : memref<!tpu.dma_semaphore, #tpu.memory_space<semaphore_mem>>)
    %get3A_464 = arith.constant 496 : index
    %get3A_465 = tpu.vector_load %arg5[%get3A_464] {strides = array<i32>} : memref<25600xi32, #tpu.memory_space<vmem>>, vector<16xi32>,
    %get3A_466 = vector.shape_cast %get3A_465 : vector<16xi32> to vector<16xi32>
    %dma_start3A_467 = arith.constant 3 : i32
    %dma_start3A_468 = arith.constant 0 : i32
    %dma_start3A_469 = arith.constant 0 : i32
    %dma_start3A_470 = tpu.memref_slice %arg6[%dma_start3A_467, %dma_start3A_468, %dma_start3A_469] : memref<4x128x128xf32, #tpu.memory_space<vmem>> -> memref<1x128x128xf32, #tpu.memory_space<vmem>>
    %dma_start3A_471 = tpu.memref_squeeze %dma_start3A_470 : memref<1x128x128xf32, #tpu.memory_space<vmem>> -> memref<128x128xf32, #tpu.memory_space<vmem>>
    %dma_start3A_472 = arith.constant 112 : i32
    %dma_start3A_473 = arith.constant 0 : i32
    %dma_start3A_474 = tpu.memref_slice %dma_start3A_471[%dma_start3A_472, %dma_start3A_473] : memref<128x128xf32, #tpu.memory_space<vmem>> -> memref<16x128xf32, #tpu.memory_space<vmem>>
    %dma_start3A_475 = arith.constant 0 : i32
    %dma_start3A_476 = arith.constant 0 : i32
    %dma_start3A_477 = tpu.memref_slice %arg3[%dma_start3A_475, %dma_start3A_476] : memref<1000000x128xf32, #tpu.memory_space<hbm>> -> memref<1000000x128xf32, #tpu.memory_space<hbm>>
    tpu.enqueue_indirect_dma source(%dma_start3A_477 : memref<1000000x128xf32, #tpu.memory_space<hbm>>) target(%dma_start3A_474 : memref<16x128xf32, #tpu.memory_space<vmem>>) offsets(%get3A_466 : vector<16xi32>) semaphore(%arg7 : memref<!tpu.dma_semaphore, #tpu.memory_space<semaphore_mem>>)
    %dma_wait3A_478 = arith.constant 1 : i32
    %dma_wait3A_479 = arith.constant 0 : i32
    %dma_wait3A_480 = arith.constant 0 : i32
    %dma_wait3A_481 = tpu.memref_slice %arg6[%dma_wait3A_478, %dma_wait3A_479, %dma_wait3A_480] : memref<4x128x128xf32, #tpu.memory_space<vmem>> -> memref<1x128x128xf32, #tpu.memory_space<vmem>>
    %dma_wait3A_482 = tpu.memref_squeeze %dma_wait3A_481 : memref<1x128x128xf32, #tpu.memory_space<vmem>> -> memref<128x128xf32, #tpu.memory_space<vmem>>
    %dma_wait3A_483 = arith.constant 0 : i32
    %dma_wait3A_484 = arith.constant 0 : i32
    %dma_wait3A_485 = tpu.memref_slice %arg3[%dma_wait3A_483, %dma_wait3A_484] : memref<1000000x128xf32, #tpu.memory_space<hbm>> -> memref<128x128xf32, #tpu.memory_space<hbm>>
    %dma_wait3A_486 = arith.constant 0 : i32
    %dma_wait3A_487 = arith.constant 0 : i32
    %dma_wait3A_488 = tpu.memref_slice %arg6[%dma_wait3A_478, %dma_wait3A_486, %dma_wait3A_487] : memref<4x128x128xf32, #tpu.memory_space<vmem>> -> memref<1x128x128xf32, #tpu.memory_space<vmem>>
    %dma_wait3A_489 = tpu.memref_squeeze %dma_wait3A_488 : memref<1x128x128xf32, #tpu.memory_space<vmem>> -> memref<128x128xf32, #tpu.memory_space<vmem>>
    %dma_wait3A_490 = arith.constant 0 : i32
    %dma_wait3A_491 = arith.constant 0 : i32
    %dma_wait3A_492 = tpu.memref_slice %arg3[%dma_wait3A_490, %dma_wait3A_491] : memref<1000000x128xf32, #tpu.memory_space<hbm>> -> memref<128x128xf32, #tpu.memory_space<hbm>>
    tpu.wait_dma2 semaphore(%arg7 : memref<!tpu.dma_semaphore, #tpu.memory_space<semaphore_mem>>) src(%dma_wait3A_492 : memref<128x128xf32, #tpu.memory_space<hbm>>) dst(%dma_wait3A_489 : memref<128x128xf32, #tpu.memory_space<vmem>>)
    %add3A_493 = arith.constant 128 : i32
    %add3A_494 = arith.addi %mul3A_2, %add3A_493 : i32
    %dma_start3A_495 = arith.constant 1 : i32
    %dma_start3A_496 = arith.constant 0 : i32
    %dma_start3A_497 = arith.constant 0 : i32
    %dma_start3A_498 = tpu.memref_slice %arg6[%dma_start3A_495, %dma_start3A_496, %dma_start3A_497] : memref<4x128x128xf32, #tpu.memory_space<vmem>> -> memref<1x128x128xf32, #tpu.memory_space<vmem>>
    %dma_start3A_499 = tpu.memref_squeeze %dma_start3A_498 : memref<1x128x128xf32, #tpu.memory_space<vmem>> -> memref<128x128xf32, #tpu.memory_space<vmem>>
    %dma_start3A_500 = arith.constant 0 : i32
    %dma_start3A_501 = tpu.memref_slice %arg4[%add3A_494, %dma_start3A_500] : memref<819200x128xf32, #tpu.memory_space<hbm>> -> memref<128x128xf32, #tpu.memory_space<hbm>>
    %dma_start3A_502 = arith.constant 0 : i32
    %dma_start3A_503 = tpu.memref_slice %arg4[%add3A_494, %dma_start3A_502] : memref<819200x128xf32, #tpu.memory_space<hbm>> -> memref<128x128xf32, #tpu.memory_space<hbm>>
    %dma_start3A_504 = arith.constant 0 : i32
    %dma_start3A_505 = arith.constant 0 : i32
    %dma_start3A_506 = tpu.memref_slice %arg6[%dma_start3A_495, %dma_start3A_504, %dma_start3A_505] : memref<4x128x128xf32, #tpu.memory_space<vmem>> -> memref<1x128x128xf32, #tpu.memory_space<vmem>>
    %dma_start3A_507 = tpu.memref_squeeze %dma_start3A_506 : memref<1x128x128xf32, #tpu.memory_space<vmem>> -> memref<128x128xf32, #tpu.memory_space<vmem>>
    tpu.enqueue_dma source(%dma_start3A_507 : memref<128x128xf32, #tpu.memory_space<vmem>>) target(%dma_start3A_503 : memref<128x128xf32, #tpu.memory_space<hbm>>) target_semaphore(%arg8 : memref<!tpu.dma_semaphore, #tpu.memory_space<semaphore_mem>>)
    %scan3A = arith.constant 0 : i32
    %scan3A_508 = arith.constant 49 : i32
    %scan3A_509 = arith.addi %scan3A, %scan3A_508 : i32
    %scan3A_510 = arith.constant 1 : i32
    scf.for %scan3A_624 = %scan3A to %scan3A_509 step %scan3A_510  : i32 {
      %mul3A_625 = arith.constant 4 : i32
      %mul3A_626 = arith.muli %scan3A_624, %mul3A_625 : i32
      %add3A_627 = arith.constant 0 : i32
      %add3A_628 = arith.addi %add3A_627, %mul3A_626 : i32
      %add3A_629 = arith.constant 2 : i32
      %add3A_630 = arith.addi %add3A_628, %add3A_629 : i32
      %add3A_631 = arith.constant 0 : i32
      %add3A_632 = arith.addi %add3A_630, %add3A_631 : i32
      %dma_wait3A_633 = arith.constant 0 : i32
      %dma_wait3A_634 = arith.constant 0 : i32
      %dma_wait3A_635 = arith.constant 0 : i32
      %dma_wait3A_636 = tpu.memref_slice %arg6[%dma_wait3A_633, %dma_wait3A_634, %dma_wait3A_635] : memref<4x128x128xf32, #tpu.memory_space<vmem>> -> memref<1x128x128xf32, #tpu.memory_space<vmem>>
      %dma_wait3A_637 = tpu.memref_squeeze %dma_wait3A_636 : memref<1x128x128xf32, #tpu.memory_space<vmem>> -> memref<128x128xf32, #tpu.memory_space<vmem>>
      %dma_wait3A_638 = arith.constant 0 : i32
      %dma_wait3A_639 = tpu.memref_slice %arg4[%mul3A_2, %dma_wait3A_638] : memref<819200x128xf32, #tpu.memory_space<hbm>> -> memref<128x128xf32, #tpu.memory_space<hbm>>
      %dma_wait3A_640 = arith.constant 0 : i32
      %dma_wait3A_641 = tpu.memref_slice %arg4[%mul3A_2, %dma_wait3A_640] : memref<819200x128xf32, #tpu.memory_space<hbm>> -> memref<128x128xf32, #tpu.memory_space<hbm>>
      %dma_wait3A_642 = arith.constant 0 : i32
      %dma_wait3A_643 = arith.constant 0 : i32
      %dma_wait3A_644 = tpu.memref_slice %arg6[%dma_wait3A_633, %dma_wait3A_642, %dma_wait3A_643] : memref<4x128x128xf32, #tpu.memory_space<vmem>> -> memref<1x128x128xf32, #tpu.memory_space<vmem>>
      %dma_wait3A_645 = tpu.memref_squeeze %dma_wait3A_644 : memref<1x128x128xf32, #tpu.memory_space<vmem>> -> memref<128x128xf32, #tpu.memory_space<vmem>>
      tpu.wait_dma2 semaphore(%arg8 : memref<!tpu.dma_semaphore, #tpu.memory_space<semaphore_mem>>) src(%dma_wait3A_645 : memref<128x128xf32, #tpu.memory_space<vmem>>) dst(%dma_wait3A_641 : memref<128x128xf32, #tpu.memory_space<hbm>>)
      %add3A_646 = arith.constant 4 : i32
      %add3A_647 = arith.addi %add3A_632, %add3A_646 : i32
      %sub3A = arith.constant 2 : i32
      %sub3A_648 = arith.subi %add3A_647, %sub3A : i32
      %mul3A_649 = arith.constant 128 : i32
      %mul3A_650 = arith.muli %sub3A_648, %mul3A_649 : i32
      %add3A_651 = arith.constant 0 : i32
      %add3A_652 = arith.addi %mul3A_650, %add3A_651 : i32
      %get3A_653 = arith.index_cast %add3A_652 : i32 to index
      %get3A_654 = tpu.vector_load %arg5[%get3A_653] {strides = array<i32>} : memref<25600xi32, #tpu.memory_space<vmem>>, vector<16xi32>,
      %get3A_655 = vector.shape_cast %get3A_654 : vector<16xi32> to vector<16xi32>
      %dma_start3A_656 = arith.constant 0 : i32
      %dma_start3A_657 = arith.constant 0 : i32
      %dma_start3A_658 = arith.constant 0 : i32
      %dma_start3A_659 = tpu.memref_slice %arg6[%dma_start3A_656, %dma_start3A_657, %dma_start3A_658] : memref<4x128x128xf32, #tpu.memory_space<vmem>> -> memref<1x128x128xf32, #tpu.memory_space<vmem>>
      %dma_start3A_660 = tpu.memref_squeeze %dma_start3A_659 : memref<1x128x128xf32, #tpu.memory_space<vmem>> -> memref<128x128xf32, #tpu.memory_space<vmem>>
      %dma_start3A_661 = arith.constant 0 : i32
      %dma_start3A_662 = arith.constant 0 : i32
      %dma_start3A_663 = tpu.memref_slice %dma_start3A_660[%dma_start3A_661, %dma_start3A_662] : memref<128x128xf32, #tpu.memory_space<vmem>> -> memref<16x128xf32, #tpu.memory_space<vmem>>
      %dma_start3A_664 = arith.constant 0 : i32
      %dma_start3A_665 = arith.constant 0 : i32
      %dma_start3A_666 = tpu.memref_slice %arg3[%dma_start3A_664, %dma_start3A_665] : memref<1000000x128xf32, #tpu.memory_space<hbm>> -> memref<1000000x128xf32, #tpu.memory_space<hbm>>
      tpu.enqueue_indirect_dma source(%dma_start3A_666 : memref<1000000x128xf32, #tpu.memory_space<hbm>>) target(%dma_start3A_663 : memref<16x128xf32, #tpu.memory_space<vmem>>) offsets(%get3A_655 : vector<16xi32>) semaphore(%arg7 : memref<!tpu.dma_semaphore, #tpu.memory_space<semaphore_mem>>)
      %mul3A_667 = arith.constant 128 : i32
      %mul3A_668 = arith.muli %sub3A_648, %mul3A_667 : i32
      %add3A_669 = arith.constant 16 : i32
      %add3A_670 = arith.addi %mul3A_668, %add3A_669 : i32
      %get3A_671 = arith.index_cast %add3A_670 : i32 to index
      %get3A_672 = tpu.vector_load %arg5[%get3A_671] {strides = array<i32>} : memref<25600xi32, #tpu.memory_space<vmem>>, vector<16xi32>,
      %get3A_673 = vector.shape_cast %get3A_672 : vector<16xi32> to vector<16xi32>
      %dma_start3A_674 = arith.constant 0 : i32
      %dma_start3A_675 = arith.constant 0 : i32
      %dma_start3A_676 = arith.constant 0 : i32
      %dma_start3A_677 = tpu.memref_slice %arg6[%dma_start3A_674, %dma_start3A_675, %dma_start3A_676] : memref<4x128x128xf32, #tpu.memory_space<vmem>> -> memref<1x128x128xf32, #tpu.memory_space<vmem>>
      %dma_start3A_678 = tpu.memref_squeeze %dma_start3A_677 : memref<1x128x128xf32, #tpu.memory_space<vmem>> -> memref<128x128xf32, #tpu.memory_space<vmem>>
      %dma_start3A_679 = arith.constant 16 : i32
      %dma_start3A_680 = arith.constant 0 : i32
      %dma_start3A_681 = tpu.memref_slice %dma_start3A_678[%dma_start3A_679, %dma_start3A_680] : memref<128x128xf32, #tpu.memory_space<vmem>> -> memref<16x128xf32, #tpu.memory_space<vmem>>
      %dma_start3A_682 = arith.constant 0 : i32
      %dma_start3A_683 = arith.constant 0 : i32
      %dma_start3A_684 = tpu.memref_slice %arg3[%dma_start3A_682, %dma_start3A_683] : memref<1000000x128xf32, #tpu.memory_space<hbm>> -> memref<1000000x128xf32, #tpu.memory_space<hbm>>
      tpu.enqueue_indirect_dma source(%dma_start3A_684 : memref<1000000x128xf32, #tpu.memory_space<hbm>>) target(%dma_start3A_681 : memref<16x128xf32, #tpu.memory_space<vmem>>) offsets(%get3A_673 : vector<16xi32>) semaphore(%arg7 : memref<!tpu.dma_semaphore, #tpu.memory_space<semaphore_mem>>)
      %mul3A_685 = arith.constant 128 : i32
      %mul3A_686 = arith.muli %sub3A_648, %mul3A_685 : i32
      %add3A_687 = arith.constant 32 : i32
      %add3A_688 = arith.addi %mul3A_686, %add3A_687 : i32
      %get3A_689 = arith.index_cast %add3A_688 : i32 to index
      %get3A_690 = tpu.vector_load %arg5[%get3A_689] {strides = array<i32>} : memref<25600xi32, #tpu.memory_space<vmem>>, vector<16xi32>,
      %get3A_691 = vector.shape_cast %get3A_690 : vector<16xi32> to vector<16xi32>
      %dma_start3A_692 = arith.constant 0 : i32
      %dma_start3A_693 = arith.constant 0 : i32
      %dma_start3A_694 = arith.constant 0 : i32
      %dma_start3A_695 = tpu.memref_slice %arg6[%dma_start3A_692, %dma_start3A_693, %dma_start3A_694] : memref<4x128x128xf32, #tpu.memory_space<vmem>> -> memref<1x128x128xf32, #tpu.memory_space<vmem>>
      %dma_start3A_696 = tpu.memref_squeeze %dma_start3A_695 : memref<1x128x128xf32, #tpu.memory_space<vmem>> -> memref<128x128xf32, #tpu.memory_space<vmem>>
      %dma_start3A_697 = arith.constant 32 : i32
      %dma_start3A_698 = arith.constant 0 : i32
      %dma_start3A_699 = tpu.memref_slice %dma_start3A_696[%dma_start3A_697, %dma_start3A_698] : memref<128x128xf32, #tpu.memory_space<vmem>> -> memref<16x128xf32, #tpu.memory_space<vmem>>
      %dma_start3A_700 = arith.constant 0 : i32
      %dma_start3A_701 = arith.constant 0 : i32
      %dma_start3A_702 = tpu.memref_slice %arg3[%dma_start3A_700, %dma_start3A_701] : memref<1000000x128xf32, #tpu.memory_space<hbm>> -> memref<1000000x128xf32, #tpu.memory_space<hbm>>
      tpu.enqueue_indirect_dma source(%dma_start3A_702 : memref<1000000x128xf32, #tpu.memory_space<hbm>>) target(%dma_start3A_699 : memref<16x128xf32, #tpu.memory_space<vmem>>) offsets(%get3A_691 : vector<16xi32>) semaphore(%arg7 : memref<!tpu.dma_semaphore, #tpu.memory_space<semaphore_mem>>)
      %mul3A_703 = arith.constant 128 : i32
      %mul3A_704 = arith.muli %sub3A_648, %mul3A_703 : i32
      %add3A_705 = arith.constant 48 : i32
      %add3A_706 = arith.addi %mul3A_704, %add3A_705 : i32
      %get3A_707 = arith.index_cast %add3A_706 : i32 to index
      %get3A_708 = tpu.vector_load %arg5[%get3A_707] {strides = array<i32>} : memref<25600xi32, #tpu.memory_space<vmem>>, vector<16xi32>,
      %get3A_709 = vector.shape_cast %get3A_708 : vector<16xi32> to vector<16xi32>
      %dma_start3A_710 = arith.constant 0 : i32
      %dma_start3A_711 = arith.constant 0 : i32
      %dma_start3A_712 = arith.constant 0 : i32
      %dma_start3A_713 = tpu.memref_slice %arg6[%dma_start3A_710, %dma_start3A_711, %dma_start3A_712] : memref<4x128x128xf32, #tpu.memory_space<vmem>> -> memref<1x128x128xf32, #tpu.memory_space<vmem>>
      %dma_start3A_714 = tpu.memref_squeeze %dma_start3A_713 : memref<1x128x128xf32, #tpu.memory_space<vmem>> -> memref<128x128xf32, #tpu.memory_space<vmem>>
      %dma_start3A_715 = arith.constant 48 : i32
      %dma_start3A_716 = arith.constant 0 : i32
      %dma_start3A_717 = tpu.memref_slice %dma_start3A_714[%dma_start3A_715, %dma_start3A_716] : memref<128x128xf32, #tpu.memory_space<vmem>> -> memref<16x128xf32, #tpu.memory_space<vmem>>
      %dma_start3A_718 = arith.constant 0 : i32
      %dma_start3A_719 = arith.constant 0 : i32
      %dma_start3A_720 = tpu.memref_slice %arg3[%dma_start3A_718, %dma_start3A_719] : memref<1000000x128xf32, #tpu.memory_space<hbm>> -> memref<1000000x128xf32, #tpu.memory_space<hbm>>
      tpu.enqueue_indirect_dma source(%dma_start3A_720 : memref<1000000x128xf32, #tpu.memory_space<hbm>>) target(%dma_start3A_717 : memref<16x128xf32, #tpu.memory_space<vmem>>) offsets(%get3A_709 : vector<16xi32>) semaphore(%arg7 : memref<!tpu.dma_semaphore, #tpu.memory_space<semaphore_mem>>)
      %mul3A_721 = arith.constant 128 : i32
      %mul3A_722 = arith.muli %sub3A_648, %mul3A_721 : i32
      %add3A_723 = arith.constant 64 : i32
      %add3A_724 = arith.addi %mul3A_722, %add3A_723 : i32
      %get3A_725 = arith.index_cast %add3A_724 : i32 to index
      %get3A_726 = tpu.vector_load %arg5[%get3A_725] {strides = array<i32>} : memref<25600xi32, #tpu.memory_space<vmem>>, vector<16xi32>,
      %get3A_727 = vector.shape_cast %get3A_726 : vector<16xi32> to vector<16xi32>
      %dma_start3A_728 = arith.constant 0 : i32
      %dma_start3A_729 = arith.constant 0 : i32
      %dma_start3A_730 = arith.constant 0 : i32
      %dma_start3A_731 = tpu.memref_slice %arg6[%dma_start3A_728, %dma_start3A_729, %dma_start3A_730] : memref<4x128x128xf32, #tpu.memory_space<vmem>> -> memref<1x128x128xf32, #tpu.memory_space<vmem>>
      %dma_start3A_732 = tpu.memref_squeeze %dma_start3A_731 : memref<1x128x128xf32, #tpu.memory_space<vmem>> -> memref<128x128xf32, #tpu.memory_space<vmem>>
      %dma_start3A_733 = arith.constant 64 : i32
      %dma_start3A_734 = arith.constant 0 : i32
      %dma_start3A_735 = tpu.memref_slice %dma_start3A_732[%dma_start3A_733, %dma_start3A_734] : memref<128x128xf32, #tpu.memory_space<vmem>> -> memref<16x128xf32, #tpu.memory_space<vmem>>
      %dma_start3A_736 = arith.constant 0 : i32
      %dma_start3A_737 = arith.constant 0 : i32
      %dma_start3A_738 = tpu.memref_slice %arg3[%dma_start3A_736, %dma_start3A_737] : memref<1000000x128xf32, #tpu.memory_space<hbm>> -> memref<1000000x128xf32, #tpu.memory_space<hbm>>
      tpu.enqueue_indirect_dma source(%dma_start3A_738 : memref<1000000x128xf32, #tpu.memory_space<hbm>>) target(%dma_start3A_735 : memref<16x128xf32, #tpu.memory_space<vmem>>) offsets(%get3A_727 : vector<16xi32>) semaphore(%arg7 : memref<!tpu.dma_semaphore, #tpu.memory_space<semaphore_mem>>)
      %mul3A_739 = arith.constant 128 : i32
      %mul3A_740 = arith.muli %sub3A_648, %mul3A_739 : i32
      %add3A_741 = arith.constant 80 : i32
      %add3A_742 = arith.addi %mul3A_740, %add3A_741 : i32
      %get3A_743 = arith.index_cast %add3A_742 : i32 to index
      %get3A_744 = tpu.vector_load %arg5[%get3A_743] {strides = array<i32>} : memref<25600xi32, #tpu.memory_space<vmem>>, vector<16xi32>,
      %get3A_745 = vector.shape_cast %get3A_744 : vector<16xi32> to vector<16xi32>
      %dma_start3A_746 = arith.constant 0 : i32
      %dma_start3A_747 = arith.constant 0 : i32
      %dma_start3A_748 = arith.constant 0 : i32
      %dma_start3A_749 = tpu.memref_slice %arg6[%dma_start3A_746, %dma_start3A_747, %dma_start3A_748] : memref<4x128x128xf32, #tpu.memory_space<vmem>> -> memref<1x128x128xf32, #tpu.memory_space<vmem>>
      %dma_start3A_750 = tpu.memref_squeeze %dma_start3A_749 : memref<1x128x128xf32, #tpu.memory_space<vmem>> -> memref<128x128xf32, #tpu.memory_space<vmem>>
      %dma_start3A_751 = arith.constant 80 : i32
      %dma_start3A_752 = arith.constant 0 : i32
      %dma_start3A_753 = tpu.memref_slice %dma_start3A_750[%dma_start3A_751, %dma_start3A_752] : memref<128x128xf32, #tpu.memory_space<vmem>> -> memref<16x128xf32, #tpu.memory_space<vmem>>
      %dma_start3A_754 = arith.constant 0 : i32
      %dma_start3A_755 = arith.constant 0 : i32
      %dma_start3A_756 = tpu.memref_slice %arg3[%dma_start3A_754, %dma_start3A_755] : memref<1000000x128xf32, #tpu.memory_space<hbm>> -> memref<1000000x128xf32, #tpu.memory_space<hbm>>
      tpu.enqueue_indirect_dma source(%dma_start3A_756 : memref<1000000x128xf32, #tpu.memory_space<hbm>>) target(%dma_start3A_753 : memref<16x128xf32, #tpu.memory_space<vmem>>) offsets(%get3A_745 : vector<16xi32>) semaphore(%arg7 : memref<!tpu.dma_semaphore, #tpu.memory_space<semaphore_mem>>)
      %mul3A_757 = arith.constant 128 : i32
      %mul3A_758 = arith.muli %sub3A_648, %mul3A_757 : i32
      %add3A_759 = arith.constant 96 : i32
      %add3A_760 = arith.addi %mul3A_758, %add3A_759 : i32
      %get3A_761 = arith.index_cast %add3A_760 : i32 to index
      %get3A_762 = tpu.vector_load %arg5[%get3A_761] {strides = array<i32>} : memref<25600xi32, #tpu.memory_space<vmem>>, vector<16xi32>,
      %get3A_763 = vector.shape_cast %get3A_762 : vector<16xi32> to vector<16xi32>
      %dma_start3A_764 = arith.constant 0 : i32
      %dma_start3A_765 = arith.constant 0 : i32
      %dma_start3A_766 = arith.constant 0 : i32
      %dma_start3A_767 = tpu.memref_slice %arg6[%dma_start3A_764, %dma_start3A_765, %dma_start3A_766] : memref<4x128x128xf32, #tpu.memory_space<vmem>> -> memref<1x128x128xf32, #tpu.memory_space<vmem>>
      %dma_start3A_768 = tpu.memref_squeeze %dma_start3A_767 : memref<1x128x128xf32, #tpu.memory_space<vmem>> -> memref<128x128xf32, #tpu.memory_space<vmem>>
      %dma_start3A_769 = arith.constant 96 : i32
      %dma_start3A_770 = arith.constant 0 : i32
      %dma_start3A_771 = tpu.memref_slice %dma_start3A_768[%dma_start3A_769, %dma_start3A_770] : memref<128x128xf32, #tpu.memory_space<vmem>> -> memref<16x128xf32, #tpu.memory_space<vmem>>
      %dma_start3A_772 = arith.constant 0 : i32
      %dma_start3A_773 = arith.constant 0 : i32
      %dma_start3A_774 = tpu.memref_slice %arg3[%dma_start3A_772, %dma_start3A_773] : memref<1000000x128xf32, #tpu.memory_space<hbm>> -> memref<1000000x128xf32, #tpu.memory_space<hbm>>
      tpu.enqueue_indirect_dma source(%dma_start3A_774 : memref<1000000x128xf32, #tpu.memory_space<hbm>>) target(%dma_start3A_771 : memref<16x128xf32, #tpu.memory_space<vmem>>) offsets(%get3A_763 : vector<16xi32>) semaphore(%arg7 : memref<!tpu.dma_semaphore, #tpu.memory_space<semaphore_mem>>)
      %mul3A_775 = arith.constant 128 : i32
      %mul3A_776 = arith.muli %sub3A_648, %mul3A_775 : i32
      %add3A_777 = arith.constant 112 : i32
      %add3A_778 = arith.addi %mul3A_776, %add3A_777 : i32
      %get3A_779 = arith.index_cast %add3A_778 : i32 to index
      %get3A_780 = tpu.vector_load %arg5[%get3A_779] {strides = array<i32>} : memref<25600xi32, #tpu.memory_space<vmem>>, vector<16xi32>,
      %get3A_781 = vector.shape_cast %get3A_780 : vector<16xi32> to vector<16xi32>
      %dma_start3A_782 = arith.constant 0 : i32
      %dma_start3A_783 = arith.constant 0 : i32
      %dma_start3A_784 = arith.constant 0 : i32
      %dma_start3A_785 = tpu.memref_slice %arg6[%dma_start3A_782, %dma_start3A_783, %dma_start3A_784] : memref<4x128x128xf32, #tpu.memory_space<vmem>> -> memref<1x128x128xf32, #tpu.memory_space<vmem>>
      %dma_start3A_786 = tpu.memref_squeeze %dma_start3A_785 : memref<1x128x128xf32, #tpu.memory_space<vmem>> -> memref<128x128xf32, #tpu.memory_space<vmem>>
      %dma_start3A_787 = arith.constant 112 : i32
      %dma_start3A_788 = arith.constant 0 : i32
      %dma_start3A_789 = tpu.memref_slice %dma_start3A_786[%dma_start3A_787, %dma_start3A_788] : memref<128x128xf32, #tpu.memory_space<vmem>> -> memref<16x128xf32, #tpu.memory_space<vmem>>
      %dma_start3A_790 = arith.constant 0 : i32
      %dma_start3A_791 = arith.constant 0 : i32
      %dma_start3A_792 = tpu.memref_slice %arg3[%dma_start3A_790, %dma_start3A_791] : memref<1000000x128xf32, #tpu.memory_space<hbm>> -> memref<1000000x128xf32, #tpu.memory_space<hbm>>
      tpu.enqueue_indirect_dma source(%dma_start3A_792 : memref<1000000x128xf32, #tpu.memory_space<hbm>>) target(%dma_start3A_789 : memref<16x128xf32, #tpu.memory_space<vmem>>) offsets(%get3A_781 : vector<16xi32>) semaphore(%arg7 : memref<!tpu.dma_semaphore, #tpu.memory_space<semaphore_mem>>)
      %dma_wait3A_793 = arith.constant 2 : i32
      %dma_wait3A_794 = arith.constant 0 : i32
      %dma_wait3A_795 = arith.constant 0 : i32
      %dma_wait3A_796 = tpu.memref_slice %arg6[%dma_wait3A_793, %dma_wait3A_794, %dma_wait3A_795] : memref<4x128x128xf32, #tpu.memory_space<vmem>> -> memref<1x128x128xf32, #tpu.memory_space<vmem>>
      %dma_wait3A_797 = tpu.memref_squeeze %dma_wait3A_796 : memref<1x128x128xf32, #tpu.memory_space<vmem>> -> memref<128x128xf32, #tpu.memory_space<vmem>>
      %dma_wait3A_798 = arith.constant 0 : i32
      %dma_wait3A_799 = arith.constant 0 : i32
      %dma_wait3A_800 = tpu.memref_slice %arg3[%dma_wait3A_798, %dma_wait3A_799] : memref<1000000x128xf32, #tpu.memory_space<hbm>> -> memref<128x128xf32, #tpu.memory_space<hbm>>
      %dma_wait3A_801 = arith.constant 0 : i32
      %dma_wait3A_802 = arith.constant 0 : i32
      %dma_wait3A_803 = tpu.memref_slice %arg6[%dma_wait3A_793, %dma_wait3A_801, %dma_wait3A_802] : memref<4x128x128xf32, #tpu.memory_space<vmem>> -> memref<1x128x128xf32, #tpu.memory_space<vmem>>
      %dma_wait3A_804 = tpu.memref_squeeze %dma_wait3A_803 : memref<1x128x128xf32, #tpu.memory_space<vmem>> -> memref<128x128xf32, #tpu.memory_space<vmem>>
      %dma_wait3A_805 = arith.constant 0 : i32
      %dma_wait3A_806 = arith.constant 0 : i32
      %dma_wait3A_807 = tpu.memref_slice %arg3[%dma_wait3A_805, %dma_wait3A_806] : memref<1000000x128xf32, #tpu.memory_space<hbm>> -> memref<128x128xf32, #tpu.memory_space<hbm>>
      tpu.wait_dma2 semaphore(%arg7 : memref<!tpu.dma_semaphore, #tpu.memory_space<semaphore_mem>>) src(%dma_wait3A_807 : memref<128x128xf32, #tpu.memory_space<hbm>>) dst(%dma_wait3A_804 : memref<128x128xf32, #tpu.memory_space<vmem>>)
      %mul3A_808 = arith.constant 128 : i32
      %mul3A_809 = arith.muli %add3A_632, %mul3A_808 : i32
      %add3A_810 = arith.addi %mul3A_2, %mul3A_809 : i32
      %dma_start3A_811 = arith.constant 2 : i32
      %dma_start3A_812 = arith.constant 0 : i32
      %dma_start3A_813 = arith.constant 0 : i32
      %dma_start3A_814 = tpu.memref_slice %arg6[%dma_start3A_811, %dma_start3A_812, %dma_start3A_813] : memref<4x128x128xf32, #tpu.memory_space<vmem>> -> memref<1x128x128xf32, #tpu.memory_space<vmem>>
      %dma_start3A_815 = tpu.memref_squeeze %dma_start3A_814 : memref<1x128x128xf32, #tpu.memory_space<vmem>> -> memref<128x128xf32, #tpu.memory_space<vmem>>
      %dma_start3A_816 = arith.constant 0 : i32
      %dma_start3A_817 = tpu.memref_slice %arg4[%add3A_810, %dma_start3A_816] : memref<819200x128xf32, #tpu.memory_space<hbm>> -> memref<128x128xf32, #tpu.memory_space<hbm>>
      %dma_start3A_818 = arith.constant 0 : i32
      %dma_start3A_819 = tpu.memref_slice %arg4[%add3A_810, %dma_start3A_818] : memref<819200x128xf32, #tpu.memory_space<hbm>> -> memref<128x128xf32, #tpu.memory_space<hbm>>
      %dma_start3A_820 = arith.constant 0 : i32
      %dma_start3A_821 = arith.constant 0 : i32
      %dma_start3A_822 = tpu.memref_slice %arg6[%dma_start3A_811, %dma_start3A_820, %dma_start3A_821] : memref<4x128x128xf32, #tpu.memory_space<vmem>> -> memref<1x128x128xf32, #tpu.memory_space<vmem>>
      %dma_start3A_823 = tpu.memref_squeeze %dma_start3A_822 : memref<1x128x128xf32, #tpu.memory_space<vmem>> -> memref<128x128xf32, #tpu.memory_space<vmem>>
      tpu.enqueue_dma source(%dma_start3A_823 : memref<128x128xf32, #tpu.memory_space<vmem>>) target(%dma_start3A_819 : memref<128x128xf32, #tpu.memory_space<hbm>>) target_semaphore(%arg8 : memref<!tpu.dma_semaphore, #tpu.memory_space<semaphore_mem>>)
      %add3A_824 = arith.constant 2 : i32
      %add3A_825 = arith.addi %add3A_628, %add3A_824 : i32
      %add3A_826 = arith.constant 1 : i32
      %add3A_827 = arith.addi %add3A_825, %add3A_826 : i32
      %dma_wait3A_828 = arith.constant 1 : i32
      %dma_wait3A_829 = arith.constant 0 : i32
      %dma_wait3A_830 = arith.constant 0 : i32
      %dma_wait3A_831 = tpu.memref_slice %arg6[%dma_wait3A_828, %dma_wait3A_829, %dma_wait3A_830] : memref<4x128x128xf32, #tpu.memory_space<vmem>> -> memref<1x128x128xf32, #tpu.memory_space<vmem>>
      %dma_wait3A_832 = tpu.memref_squeeze %dma_wait3A_831 : memref<1x128x128xf32, #tpu.memory_space<vmem>> -> memref<128x128xf32, #tpu.memory_space<vmem>>
      %dma_wait3A_833 = arith.constant 0 : i32
      %dma_wait3A_834 = tpu.memref_slice %arg4[%mul3A_2, %dma_wait3A_833] : memref<819200x128xf32, #tpu.memory_space<hbm>> -> memref<128x128xf32, #tpu.memory_space<hbm>>
      %dma_wait3A_835 = arith.constant 0 : i32
      %dma_wait3A_836 = tpu.memref_slice %arg4[%mul3A_2, %dma_wait3A_835] : memref<819200x128xf32, #tpu.memory_space<hbm>> -> memref<128x128xf32, #tpu.memory_space<hbm>>
      %dma_wait3A_837 = arith.constant 0 : i32
      %dma_wait3A_838 = arith.constant 0 : i32
      %dma_wait3A_839 = tpu.memref_slice %arg6[%dma_wait3A_828, %dma_wait3A_837, %dma_wait3A_838] : memref<4x128x128xf32, #tpu.memory_space<vmem>> -> memref<1x128x128xf32, #tpu.memory_space<vmem>>
      %dma_wait3A_840 = tpu.memref_squeeze %dma_wait3A_839 : memref<1x128x128xf32, #tpu.memory_space<vmem>> -> memref<128x128xf32, #tpu.memory_space<vmem>>
      tpu.wait_dma2 semaphore(%arg8 : memref<!tpu.dma_semaphore, #tpu.memory_space<semaphore_mem>>) src(%dma_wait3A_840 : memref<128x128xf32, #tpu.memory_space<vmem>>) dst(%dma_wait3A_836 : memref<128x128xf32, #tpu.memory_space<hbm>>)
      %add3A_841 = arith.constant 4 : i32
      %add3A_842 = arith.addi %add3A_827, %add3A_841 : i32
      %sub3A_843 = arith.constant 2 : i32
      %sub3A_844 = arith.subi %add3A_842, %sub3A_843 : i32
      %mul3A_845 = arith.constant 128 : i32
      %mul3A_846 = arith.muli %sub3A_844, %mul3A_845 : i32
      %add3A_847 = arith.constant 0 : i32
      %add3A_848 = arith.addi %mul3A_846, %add3A_847 : i32
      %get3A_849 = arith.index_cast %add3A_848 : i32 to index
      %get3A_850 = tpu.vector_load %arg5[%get3A_849] {strides = array<i32>} : memref<25600xi32, #tpu.memory_space<vmem>>, vector<16xi32>,
      %get3A_851 = vector.shape_cast %get3A_850 : vector<16xi32> to vector<16xi32>
      %dma_start3A_852 = arith.constant 1 : i32
      %dma_start3A_853 = arith.constant 0 : i32
      %dma_start3A_854 = arith.constant 0 : i32
      %dma_start3A_855 = tpu.memref_slice %arg6[%dma_start3A_852, %dma_start3A_853, %dma_start3A_854] : memref<4x128x128xf32, #tpu.memory_space<vmem>> -> memref<1x128x128xf32, #tpu.memory_space<vmem>>
      %dma_start3A_856 = tpu.memref_squeeze %dma_start3A_855 : memref<1x128x128xf32, #tpu.memory_space<vmem>> -> memref<128x128xf32, #tpu.memory_space<vmem>>
      %dma_start3A_857 = arith.constant 0 : i32
      %dma_start3A_858 = arith.constant 0 : i32
      %dma_start3A_859 = tpu.memref_slice %dma_start3A_856[%dma_start3A_857, %dma_start3A_858] : memref<128x128xf32, #tpu.memory_space<vmem>> -> memref<16x128xf32, #tpu.memory_space<vmem>>
      %dma_start3A_860 = arith.constant 0 : i32
      %dma_start3A_861 = arith.constant 0 : i32
      %dma_start3A_862 = tpu.memref_slice %arg3[%dma_start3A_860, %dma_start3A_861] : memref<1000000x128xf32, #tpu.memory_space<hbm>> -> memref<1000000x128xf32, #tpu.memory_space<hbm>>
      tpu.enqueue_indirect_dma source(%dma_start3A_862 : memref<1000000x128xf32, #tpu.memory_space<hbm>>) target(%dma_start3A_859 : memref<16x128xf32, #tpu.memory_space<vmem>>) offsets(%get3A_851 : vector<16xi32>) semaphore(%arg7 : memref<!tpu.dma_semaphore, #tpu.memory_space<semaphore_mem>>)
      %mul3A_863 = arith.constant 128 : i32
      %mul3A_864 = arith.muli %sub3A_844, %mul3A_863 : i32
      %add3A_865 = arith.constant 16 : i32
      %add3A_866 = arith.addi %mul3A_864, %add3A_865 : i32
      %get3A_867 = arith.index_cast %add3A_866 : i32 to index
      %get3A_868 = tpu.vector_load %arg5[%get3A_867] {strides = array<i32>} : memref<25600xi32, #tpu.memory_space<vmem>>, vector<16xi32>,
      %get3A_869 = vector.shape_cast %get3A_868 : vector<16xi32> to vector<16xi32>
      %dma_start3A_870 = arith.constant 1 : i32
      %dma_start3A_871 = arith.constant 0 : i32
      %dma_start3A_872 = arith.constant 0 : i32
      %dma_start3A_873 = tpu.memref_slice %arg6[%dma_start3A_870, %dma_start3A_871, %dma_start3A_872] : memref<4x128x128xf32, #tpu.memory_space<vmem>> -> memref<1x128x128xf32, #tpu.memory_space<vmem>>
      %dma_start3A_874 = tpu.memref_squeeze %dma_start3A_873 : memref<1x128x128xf32, #tpu.memory_space<vmem>> -> memref<128x128xf32, #tpu.memory_space<vmem>>
      %dma_start3A_875 = arith.constant 16 : i32
      %dma_start3A_876 = arith.constant 0 : i32
      %dma_start3A_877 = tpu.memref_slice %dma_start3A_874[%dma_start3A_875, %dma_start3A_876] : memref<128x128xf32, #tpu.memory_space<vmem>> -> memref<16x128xf32, #tpu.memory_space<vmem>>
      %dma_start3A_878 = arith.constant 0 : i32
      %dma_start3A_879 = arith.constant 0 : i32
      %dma_start3A_880 = tpu.memref_slice %arg3[%dma_start3A_878, %dma_start3A_879] : memref<1000000x128xf32, #tpu.memory_space<hbm>> -> memref<1000000x128xf32, #tpu.memory_space<hbm>>
      tpu.enqueue_indirect_dma source(%dma_start3A_880 : memref<1000000x128xf32, #tpu.memory_space<hbm>>) target(%dma_start3A_877 : memref<16x128xf32, #tpu.memory_space<vmem>>) offsets(%get3A_869 : vector<16xi32>) semaphore(%arg7 : memref<!tpu.dma_semaphore, #tpu.memory_space<semaphore_mem>>)
      %mul3A_881 = arith.constant 128 : i32
      %mul3A_882 = arith.muli %sub3A_844, %mul3A_881 : i32
      %add3A_883 = arith.constant 32 : i32
      %add3A_884 = arith.addi %mul3A_882, %add3A_883 : i32
      %get3A_885 = arith.index_cast %add3A_884 : i32 to index
      %get3A_886 = tpu.vector_load %arg5[%get3A_885] {strides = array<i32>} : memref<25600xi32, #tpu.memory_space<vmem>>, vector<16xi32>,
      %get3A_887 = vector.shape_cast %get3A_886 : vector<16xi32> to vector<16xi32>
      %dma_start3A_888 = arith.constant 1 : i32
      %dma_start3A_889 = arith.constant 0 : i32
      %dma_start3A_890 = arith.constant 0 : i32
      %dma_start3A_891 = tpu.memref_slice %arg6[%dma_start3A_888, %dma_start3A_889, %dma_start3A_890] : memref<4x128x128xf32, #tpu.memory_space<vmem>> -> memref<1x128x128xf32, #tpu.memory_space<vmem>>
      %dma_start3A_892 = tpu.memref_squeeze %dma_start3A_891 : memref<1x128x128xf32, #tpu.memory_space<vmem>> -> memref<128x128xf32, #tpu.memory_space<vmem>>
      %dma_start3A_893 = arith.constant 32 : i32
      %dma_start3A_894 = arith.constant 0 : i32
      %dma_start3A_895 = tpu.memref_slice %dma_start3A_892[%dma_start3A_893, %dma_start3A_894] : memref<128x128xf32, #tpu.memory_space<vmem>> -> memref<16x128xf32, #tpu.memory_space<vmem>>
      %dma_start3A_896 = arith.constant 0 : i32
      %dma_start3A_897 = arith.constant 0 : i32
      %dma_start3A_898 = tpu.memref_slice %arg3[%dma_start3A_896, %dma_start3A_897] : memref<1000000x128xf32, #tpu.memory_space<hbm>> -> memref<1000000x128xf32, #tpu.memory_space<hbm>>
      tpu.enqueue_indirect_dma source(%dma_start3A_898 : memref<1000000x128xf32, #tpu.memory_space<hbm>>) target(%dma_start3A_895 : memref<16x128xf32, #tpu.memory_space<vmem>>) offsets(%get3A_887 : vector<16xi32>) semaphore(%arg7 : memref<!tpu.dma_semaphore, #tpu.memory_space<semaphore_mem>>)
      %mul3A_899 = arith.constant 128 : i32
      %mul3A_900 = arith.muli %sub3A_844, %mul3A_899 : i32
      %add3A_901 = arith.constant 48 : i32
      %add3A_902 = arith.addi %mul3A_900, %add3A_901 : i32
      %get3A_903 = arith.index_cast %add3A_902 : i32 to index
      %get3A_904 = tpu.vector_load %arg5[%get3A_903] {strides = array<i32>} : memref<25600xi32, #tpu.memory_space<vmem>>, vector<16xi32>,
      %get3A_905 = vector.shape_cast %get3A_904 : vector<16xi32> to vector<16xi32>
      %dma_start3A_906 = arith.constant 1 : i32
      %dma_start3A_907 = arith.constant 0 : i32
      %dma_start3A_908 = arith.constant 0 : i32
      %dma_start3A_909 = tpu.memref_slice %arg6[%dma_start3A_906, %dma_start3A_907, %dma_start3A_908] : memref<4x128x128xf32, #tpu.memory_space<vmem>> -> memref<1x128x128xf32, #tpu.memory_space<vmem>>
      %dma_start3A_910 = tpu.memref_squeeze %dma_start3A_909 : memref<1x128x128xf32, #tpu.memory_space<vmem>> -> memref<128x128xf32, #tpu.memory_space<vmem>>
      %dma_start3A_911 = arith.constant 48 : i32
      %dma_start3A_912 = arith.constant 0 : i32
      %dma_start3A_913 = tpu.memref_slice %dma_start3A_910[%dma_start3A_911, %dma_start3A_912] : memref<128x128xf32, #tpu.memory_space<vmem>> -> memref<16x128xf32, #tpu.memory_space<vmem>>
      %dma_start3A_914 = arith.constant 0 : i32
      %dma_start3A_915 = arith.constant 0 : i32
      %dma_start3A_916 = tpu.memref_slice %arg3[%dma_start3A_914, %dma_start3A_915] : memref<1000000x128xf32, #tpu.memory_space<hbm>> -> memref<1000000x128xf32, #tpu.memory_space<hbm>>
      tpu.enqueue_indirect_dma source(%dma_start3A_916 : memref<1000000x128xf32, #tpu.memory_space<hbm>>) target(%dma_start3A_913 : memref<16x128xf32, #tpu.memory_space<vmem>>) offsets(%get3A_905 : vector<16xi32>) semaphore(%arg7 : memref<!tpu.dma_semaphore, #tpu.memory_space<semaphore_mem>>)
      %mul3A_917 = arith.constant 128 : i32
      %mul3A_918 = arith.muli %sub3A_844, %mul3A_917 : i32
      %add3A_919 = arith.constant 64 : i32
      %add3A_920 = arith.addi %mul3A_918, %add3A_919 : i32
      %get3A_921 = arith.index_cast %add3A_920 : i32 to index
      %get3A_922 = tpu.vector_load %arg5[%get3A_921] {strides = array<i32>} : memref<25600xi32, #tpu.memory_space<vmem>>, vector<16xi32>,
      %get3A_923 = vector.shape_cast %get3A_922 : vector<16xi32> to vector<16xi32>
      %dma_start3A_924 = arith.constant 1 : i32
      %dma_start3A_925 = arith.constant 0 : i32
      %dma_start3A_926 = arith.constant 0 : i32
      %dma_start3A_927 = tpu.memref_slice %arg6[%dma_start3A_924, %dma_start3A_925, %dma_start3A_926] : memref<4x128x128xf32, #tpu.memory_space<vmem>> -> memref<1x128x128xf32, #tpu.memory_space<vmem>>
      %dma_start3A_928 = tpu.memref_squeeze %dma_start3A_927 : memref<1x128x128xf32, #tpu.memory_space<vmem>> -> memref<128x128xf32, #tpu.memory_space<vmem>>
      %dma_start3A_929 = arith.constant 64 : i32
      %dma_start3A_930 = arith.constant 0 : i32
      %dma_start3A_931 = tpu.memref_slice %dma_start3A_928[%dma_start3A_929, %dma_start3A_930] : memref<128x128xf32, #tpu.memory_space<vmem>> -> memref<16x128xf32, #tpu.memory_space<vmem>>
      %dma_start3A_932 = arith.constant 0 : i32
      %dma_start3A_933 = arith.constant 0 : i32
      %dma_start3A_934 = tpu.memref_slice %arg3[%dma_start3A_932, %dma_start3A_933] : memref<1000000x128xf32, #tpu.memory_space<hbm>> -> memref<1000000x128xf32, #tpu.memory_space<hbm>>
      tpu.enqueue_indirect_dma source(%dma_start3A_934 : memref<1000000x128xf32, #tpu.memory_space<hbm>>) target(%dma_start3A_931 : memref<16x128xf32, #tpu.memory_space<vmem>>) offsets(%get3A_923 : vector<16xi32>) semaphore(%arg7 : memref<!tpu.dma_semaphore, #tpu.memory_space<semaphore_mem>>)
      %mul3A_935 = arith.constant 128 : i32
      %mul3A_936 = arith.muli %sub3A_844, %mul3A_935 : i32
      %add3A_937 = arith.constant 80 : i32
      %add3A_938 = arith.addi %mul3A_936, %add3A_937 : i32
      %get3A_939 = arith.index_cast %add3A_938 : i32 to index
      %get3A_940 = tpu.vector_load %arg5[%get3A_939] {strides = array<i32>} : memref<25600xi32, #tpu.memory_space<vmem>>, vector<16xi32>,
      %get3A_941 = vector.shape_cast %get3A_940 : vector<16xi32> to vector<16xi32>
      %dma_start3A_942 = arith.constant 1 : i32
      %dma_start3A_943 = arith.constant 0 : i32
      %dma_start3A_944 = arith.constant 0 : i32
      %dma_start3A_945 = tpu.memref_slice %arg6[%dma_start3A_942, %dma_start3A_943, %dma_start3A_944] : memref<4x128x128xf32, #tpu.memory_space<vmem>> -> memref<1x128x128xf32, #tpu.memory_space<vmem>>
      %dma_start3A_946 = tpu.memref_squeeze %dma_start3A_945 : memref<1x128x128xf32, #tpu.memory_space<vmem>> -> memref<128x128xf32, #tpu.memory_space<vmem>>
      %dma_start3A_947 = arith.constant 80 : i32
      %dma_start3A_948 = arith.constant 0 : i32
      %dma_start3A_949 = tpu.memref_slice %dma_start3A_946[%dma_start3A_947, %dma_start3A_948] : memref<128x128xf32, #tpu.memory_space<vmem>> -> memref<16x128xf32, #tpu.memory_space<vmem>>
      %dma_start3A_950 = arith.constant 0 : i32
      %dma_start3A_951 = arith.constant 0 : i32
      %dma_start3A_952 = tpu.memref_slice %arg3[%dma_start3A_950, %dma_start3A_951] : memref<1000000x128xf32, #tpu.memory_space<hbm>> -> memref<1000000x128xf32, #tpu.memory_space<hbm>>
      tpu.enqueue_indirect_dma source(%dma_start3A_952 : memref<1000000x128xf32, #tpu.memory_space<hbm>>) target(%dma_start3A_949 : memref<16x128xf32, #tpu.memory_space<vmem>>) offsets(%get3A_941 : vector<16xi32>) semaphore(%arg7 : memref<!tpu.dma_semaphore, #tpu.memory_space<semaphore_mem>>)
      %mul3A_953 = arith.constant 128 : i32
      %mul3A_954 = arith.muli %sub3A_844, %mul3A_953 : i32
      %add3A_955 = arith.constant 96 : i32
      %add3A_956 = arith.addi %mul3A_954, %add3A_955 : i32
      %get3A_957 = arith.index_cast %add3A_956 : i32 to index
      %get3A_958 = tpu.vector_load %arg5[%get3A_957] {strides = array<i32>} : memref<25600xi32, #tpu.memory_space<vmem>>, vector<16xi32>,
      %get3A_959 = vector.shape_cast %get3A_958 : vector<16xi32> to vector<16xi32>
      %dma_start3A_960 = arith.constant 1 : i32
      %dma_start3A_961 = arith.constant 0 : i32
      %dma_start3A_962 = arith.constant 0 : i32
      %dma_start3A_963 = tpu.memref_slice %arg6[%dma_start3A_960, %dma_start3A_961, %dma_start3A_962] : memref<4x128x128xf32, #tpu.memory_space<vmem>> -> memref<1x128x128xf32, #tpu.memory_space<vmem>>
      %dma_start3A_964 = tpu.memref_squeeze %dma_start3A_963 : memref<1x128x128xf32, #tpu.memory_space<vmem>> -> memref<128x128xf32, #tpu.memory_space<vmem>>
      %dma_start3A_965 = arith.constant 96 : i32
      %dma_start3A_966 = arith.constant 0 : i32
      %dma_start3A_967 = tpu.memref_slice %dma_start3A_964[%dma_start3A_965, %dma_start3A_966] : memref<128x128xf32, #tpu.memory_space<vmem>> -> memref<16x128xf32, #tpu.memory_space<vmem>>
      %dma_start3A_968 = arith.constant 0 : i32
      %dma_start3A_969 = arith.constant 0 : i32
      %dma_start3A_970 = tpu.memref_slice %arg3[%dma_start3A_968, %dma_start3A_969] : memref<1000000x128xf32, #tpu.memory_space<hbm>> -> memref<1000000x128xf32, #tpu.memory_space<hbm>>
      tpu.enqueue_indirect_dma source(%dma_start3A_970 : memref<1000000x128xf32, #tpu.memory_space<hbm>>) target(%dma_start3A_967 : memref<16x128xf32, #tpu.memory_space<vmem>>) offsets(%get3A_959 : vector<16xi32>) semaphore(%arg7 : memref<!tpu.dma_semaphore, #tpu.memory_space<semaphore_mem>>)
      %mul3A_971 = arith.constant 128 : i32
      %mul3A_972 = arith.muli %sub3A_844, %mul3A_971 : i32
      %add3A_973 = arith.constant 112 : i32
      %add3A_974 = arith.addi %mul3A_972, %add3A_973 : i32
      %get3A_975 = arith.index_cast %add3A_974 : i32 to index
      %get3A_976 = tpu.vector_load %arg5[%get3A_975] {strides = array<i32>} : memref<25600xi32, #tpu.memory_space<vmem>>, vector<16xi32>,
      %get3A_977 = vector.shape_cast %get3A_976 : vector<16xi32> to vector<16xi32>
      %dma_start3A_978 = arith.constant 1 : i32
      %dma_start3A_979 = arith.constant 0 : i32
      %dma_start3A_980 = arith.constant 0 : i32
      %dma_start3A_981 = tpu.memref_slice %arg6[%dma_start3A_978, %dma_start3A_979, %dma_start3A_980] : memref<4x128x128xf32, #tpu.memory_space<vmem>> -> memref<1x128x128xf32, #tpu.memory_space<vmem>>
      %dma_start3A_982 = tpu.memref_squeeze %dma_start3A_981 : memref<1x128x128xf32, #tpu.memory_space<vmem>> -> memref<128x128xf32, #tpu.memory_space<vmem>>
      %dma_start3A_983 = arith.constant 112 : i32
      %dma_start3A_984 = arith.constant 0 : i32
      %dma_start3A_985 = tpu.memref_slice %dma_start3A_982[%dma_start3A_983, %dma_start3A_984] : memref<128x128xf32, #tpu.memory_space<vmem>> -> memref<16x128xf32, #tpu.memory_space<vmem>>
      %dma_start3A_986 = arith.constant 0 : i32
      %dma_start3A_987 = arith.constant 0 : i32
      %dma_start3A_988 = tpu.memref_slice %arg3[%dma_start3A_986, %dma_start3A_987] : memref<1000000x128xf32, #tpu.memory_space<hbm>> -> memref<1000000x128xf32, #tpu.memory_space<hbm>>
      tpu.enqueue_indirect_dma source(%dma_start3A_988 : memref<1000000x128xf32, #tpu.memory_space<hbm>>) target(%dma_start3A_985 : memref<16x128xf32, #tpu.memory_space<vmem>>) offsets(%get3A_977 : vector<16xi32>) semaphore(%arg7 : memref<!tpu.dma_semaphore, #tpu.memory_space<semaphore_mem>>)
      %dma_wait3A_989 = arith.constant 3 : i32
      %dma_wait3A_990 = arith.constant 0 : i32
      %dma_wait3A_991 = arith.constant 0 : i32
      %dma_wait3A_992 = tpu.memref_slice %arg6[%dma_wait3A_989, %dma_wait3A_990, %dma_wait3A_991] : memref<4x128x128xf32, #tpu.memory_space<vmem>> -> memref<1x128x128xf32, #tpu.memory_space<vmem>>
      %dma_wait3A_993 = tpu.memref_squeeze %dma_wait3A_992 : memref<1x128x128xf32, #tpu.memory_space<vmem>> -> memref<128x128xf32, #tpu.memory_space<vmem>>
      %dma_wait3A_994 = arith.constant 0 : i32
      %dma_wait3A_995 = arith.constant 0 : i32
      %dma_wait3A_996 = tpu.memref_slice %arg3[%dma_wait3A_994, %dma_wait3A_995] : memref<1000000x128xf32, #tpu.memory_space<hbm>> -> memref<128x128xf32, #tpu.memory_space<hbm>>
      %dma_wait3A_997 = arith.constant 0 : i32
      %dma_wait3A_998 = arith.constant 0 : i32
      %dma_wait3A_999 = tpu.memref_slice %arg6[%dma_wait3A_989, %dma_wait3A_997, %dma_wait3A_998] : memref<4x128x128xf32, #tpu.memory_space<vmem>> -> memref<1x128x128xf32, #tpu.memory_space<vmem>>
      %dma_wait3A_1000 = tpu.memref_squeeze %dma_wait3A_999 : memref<1x128x128xf32, #tpu.memory_space<vmem>> -> memref<128x128xf32, #tpu.memory_space<vmem>>
      %dma_wait3A_1001 = arith.constant 0 : i32
      %dma_wait3A_1002 = arith.constant 0 : i32
      %dma_wait3A_1003 = tpu.memref_slice %arg3[%dma_wait3A_1001, %dma_wait3A_1002] : memref<1000000x128xf32, #tpu.memory_space<hbm>> -> memref<128x128xf32, #tpu.memory_space<hbm>>
      tpu.wait_dma2 semaphore(%arg7 : memref<!tpu.dma_semaphore, #tpu.memory_space<semaphore_mem>>) src(%dma_wait3A_1003 : memref<128x128xf32, #tpu.memory_space<hbm>>) dst(%dma_wait3A_1000 : memref<128x128xf32, #tpu.memory_space<vmem>>)
      %mul3A_1004 = arith.constant 128 : i32
      %mul3A_1005 = arith.muli %add3A_827, %mul3A_1004 : i32
      %add3A_1006 = arith.addi %mul3A_2, %mul3A_1005 : i32
      %dma_start3A_1007 = arith.constant 3 : i32
      %dma_start3A_1008 = arith.constant 0 : i32
      %dma_start3A_1009 = arith.constant 0 : i32
      %dma_start3A_1010 = tpu.memref_slice %arg6[%dma_start3A_1007, %dma_start3A_1008, %dma_start3A_1009] : memref<4x128x128xf32, #tpu.memory_space<vmem>> -> memref<1x128x128xf32, #tpu.memory_space<vmem>>
      %dma_start3A_1011 = tpu.memref_squeeze %dma_start3A_1010 : memref<1x128x128xf32, #tpu.memory_space<vmem>> -> memref<128x128xf32, #tpu.memory_space<vmem>>
      %dma_start3A_1012 = arith.constant 0 : i32
      %dma_start3A_1013 = tpu.memref_slice %arg4[%add3A_1006, %dma_start3A_1012] : memref<819200x128xf32, #tpu.memory_space<hbm>> -> memref<128x128xf32, #tpu.memory_space<hbm>>
      %dma_start3A_1014 = arith.constant 0 : i32
      %dma_start3A_1015 = tpu.memref_slice %arg4[%add3A_1006, %dma_start3A_1014] : memref<819200x128xf32, #tpu.memory_space<hbm>> -> memref<128x128xf32, #tpu.memory_space<hbm>>
      %dma_start3A_1016 = arith.constant 0 : i32
      %dma_start3A_1017 = arith.constant 0 : i32
      %dma_start3A_1018 = tpu.memref_slice %arg6[%dma_start3A_1007, %dma_start3A_1016, %dma_start3A_1017] : memref<4x128x128xf32, #tpu.memory_space<vmem>> -> memref<1x128x128xf32, #tpu.memory_space<vmem>>
      %dma_start3A_1019 = tpu.memref_squeeze %dma_start3A_1018 : memref<1x128x128xf32, #tpu.memory_space<vmem>> -> memref<128x128xf32, #tpu.memory_space<vmem>>
      tpu.enqueue_dma source(%dma_start3A_1019 : memref<128x128xf32, #tpu.memory_space<vmem>>) target(%dma_start3A_1015 : memref<128x128xf32, #tpu.memory_space<hbm>>) target_semaphore(%arg8 : memref<!tpu.dma_semaphore, #tpu.memory_space<semaphore_mem>>)
      %add3A_1020 = arith.constant 2 : i32
      %add3A_1021 = arith.addi %add3A_628, %add3A_1020 : i32
      %add3A_1022 = arith.constant 2 : i32
      %add3A_1023 = arith.addi %add3A_1021, %add3A_1022 : i32
      %dma_wait3A_1024 = arith.constant 2 : i32
      %dma_wait3A_1025 = arith.constant 0 : i32
      %dma_wait3A_1026 = arith.constant 0 : i32
      %dma_wait3A_1027 = tpu.memref_slice %arg6[%dma_wait3A_1024, %dma_wait3A_1025, %dma_wait3A_1026] : memref<4x128x128xf32, #tpu.memory_space<vmem>> -> memref<1x128x128xf32, #tpu.memory_space<vmem>>
      %dma_wait3A_1028 = tpu.memref_squeeze %dma_wait3A_1027 : memref<1x128x128xf32, #tpu.memory_space<vmem>> -> memref<128x128xf32, #tpu.memory_space<vmem>>
      %dma_wait3A_1029 = arith.constant 0 : i32
      %dma_wait3A_1030 = tpu.memref_slice %arg4[%mul3A_2, %dma_wait3A_1029] : memref<819200x128xf32, #tpu.memory_space<hbm>> -> memref<128x128xf32, #tpu.memory_space<hbm>>
      %dma_wait3A_1031 = arith.constant 0 : i32
      %dma_wait3A_1032 = tpu.memref_slice %arg4[%mul3A_2, %dma_wait3A_1031] : memref<819200x128xf32, #tpu.memory_space<hbm>> -> memref<128x128xf32, #tpu.memory_space<hbm>>
      %dma_wait3A_1033 = arith.constant 0 : i32
      %dma_wait3A_1034 = arith.constant 0 : i32
      %dma_wait3A_1035 = tpu.memref_slice %arg6[%dma_wait3A_1024, %dma_wait3A_1033, %dma_wait3A_1034] : memref<4x128x128xf32, #tpu.memory_space<vmem>> -> memref<1x128x128xf32, #tpu.memory_space<vmem>>
      %dma_wait3A_1036 = tpu.memref_squeeze %dma_wait3A_1035 : memref<1x128x128xf32, #tpu.memory_space<vmem>> -> memref<128x128xf32, #tpu.memory_space<vmem>>
      tpu.wait_dma2 semaphore(%arg8 : memref<!tpu.dma_semaphore, #tpu.memory_space<semaphore_mem>>) src(%dma_wait3A_1036 : memref<128x128xf32, #tpu.memory_space<vmem>>) dst(%dma_wait3A_1032 : memref<128x128xf32, #tpu.memory_space<hbm>>)
      %add3A_1037 = arith.constant 4 : i32
      %add3A_1038 = arith.addi %add3A_1023, %add3A_1037 : i32
      %sub3A_1039 = arith.constant 2 : i32
      %sub3A_1040 = arith.subi %add3A_1038, %sub3A_1039 : i32
      %mul3A_1041 = arith.constant 128 : i32
      %mul3A_1042 = arith.muli %sub3A_1040, %mul3A_1041 : i32
      %add3A_1043 = arith.constant 0 : i32
      %add3A_1044 = arith.addi %mul3A_1042, %add3A_1043 : i32
      %get3A_1045 = arith.index_cast %add3A_1044 : i32 to index
      %get3A_1046 = tpu.vector_load %arg5[%get3A_1045] {strides = array<i32>} : memref<25600xi32, #tpu.memory_space<vmem>>, vector<16xi32>,
      %get3A_1047 = vector.shape_cast %get3A_1046 : vector<16xi32> to vector<16xi32>
      %dma_start3A_1048 = arith.constant 2 : i32
      %dma_start3A_1049 = arith.constant 0 : i32
      %dma_start3A_1050 = arith.constant 0 : i32
      %dma_start3A_1051 = tpu.memref_slice %arg6[%dma_start3A_1048, %dma_start3A_1049, %dma_start3A_1050] : memref<4x128x128xf32, #tpu.memory_space<vmem>> -> memref<1x128x128xf32, #tpu.memory_space<vmem>>
      %dma_start3A_1052 = tpu.memref_squeeze %dma_start3A_1051 : memref<1x128x128xf32, #tpu.memory_space<vmem>> -> memref<128x128xf32, #tpu.memory_space<vmem>>
      %dma_start3A_1053 = arith.constant 0 : i32
      %dma_start3A_1054 = arith.constant 0 : i32
      %dma_start3A_1055 = tpu.memref_slice %dma_start3A_1052[%dma_start3A_1053, %dma_start3A_1054] : memref<128x128xf32, #tpu.memory_space<vmem>> -> memref<16x128xf32, #tpu.memory_space<vmem>>
      %dma_start3A_1056 = arith.constant 0 : i32
      %dma_start3A_1057 = arith.constant 0 : i32
      %dma_start3A_1058 = tpu.memref_slice %arg3[%dma_start3A_1056, %dma_start3A_1057] : memref<1000000x128xf32, #tpu.memory_space<hbm>> -> memref<1000000x128xf32, #tpu.memory_space<hbm>>
      tpu.enqueue_indirect_dma source(%dma_start3A_1058 : memref<1000000x128xf32, #tpu.memory_space<hbm>>) target(%dma_start3A_1055 : memref<16x128xf32, #tpu.memory_space<vmem>>) offsets(%get3A_1047 : vector<16xi32>) semaphore(%arg7 : memref<!tpu.dma_semaphore, #tpu.memory_space<semaphore_mem>>)
      %mul3A_1059 = arith.constant 128 : i32
      %mul3A_1060 = arith.muli %sub3A_1040, %mul3A_1059 : i32
      %add3A_1061 = arith.constant 16 : i32
      %add3A_1062 = arith.addi %mul3A_1060, %add3A_1061 : i32
      %get3A_1063 = arith.index_cast %add3A_1062 : i32 to index
      %get3A_1064 = tpu.vector_load %arg5[%get3A_1063] {strides = array<i32>} : memref<25600xi32, #tpu.memory_space<vmem>>, vector<16xi32>,
      %get3A_1065 = vector.shape_cast %get3A_1064 : vector<16xi32> to vector<16xi32>
      %dma_start3A_1066 = arith.constant 2 : i32
      %dma_start3A_1067 = arith.constant 0 : i32
      %dma_start3A_1068 = arith.constant 0 : i32
      %dma_start3A_1069 = tpu.memref_slice %arg6[%dma_start3A_1066, %dma_start3A_1067, %dma_start3A_1068] : memref<4x128x128xf32, #tpu.memory_space<vmem>> -> memref<1x128x128xf32, #tpu.memory_space<vmem>>
      %dma_start3A_1070 = tpu.memref_squeeze %dma_start3A_1069 : memref<1x128x128xf32, #tpu.memory_space<vmem>> -> memref<128x128xf32, #tpu.memory_space<vmem>>
      %dma_start3A_1071 = arith.constant 16 : i32
      %dma_start3A_1072 = arith.constant 0 : i32
      %dma_start3A_1073 = tpu.memref_slice %dma_start3A_1070[%dma_start3A_1071, %dma_start3A_1072] : memref<128x128xf32, #tpu.memory_space<vmem>> -> memref<16x128xf32, #tpu.memory_space<vmem>>
      %dma_start3A_1074 = arith.constant 0 : i32
      %dma_start3A_1075 = arith.constant 0 : i32
      %dma_start3A_1076 = tpu.memref_slice %arg3[%dma_start3A_1074, %dma_start3A_1075] : memref<1000000x128xf32, #tpu.memory_space<hbm>> -> memref<1000000x128xf32, #tpu.memory_space<hbm>>
      tpu.enqueue_indirect_dma source(%dma_start3A_1076 : memref<1000000x128xf32, #tpu.memory_space<hbm>>) target(%dma_start3A_1073 : memref<16x128xf32, #tpu.memory_space<vmem>>) offsets(%get3A_1065 : vector<16xi32>) semaphore(%arg7 : memref<!tpu.dma_semaphore, #tpu.memory_space<semaphore_mem>>)
      %mul3A_1077 = arith.constant 128 : i32
      %mul3A_1078 = arith.muli %sub3A_1040, %mul3A_1077 : i32
      %add3A_1079 = arith.constant 32 : i32
      %add3A_1080 = arith.addi %mul3A_1078, %add3A_1079 : i32
      %get3A_1081 = arith.index_cast %add3A_1080 : i32 to index
      %get3A_1082 = tpu.vector_load %arg5[%get3A_1081] {strides = array<i32>} : memref<25600xi32, #tpu.memory_space<vmem>>, vector<16xi32>,
      %get3A_1083 = vector.shape_cast %get3A_1082 : vector<16xi32> to vector<16xi32>
      %dma_start3A_1084 = arith.constant 2 : i32
      %dma_start3A_1085 = arith.constant 0 : i32
      %dma_start3A_1086 = arith.constant 0 : i32
      %dma_start3A_1087 = tpu.memref_slice %arg6[%dma_start3A_1084, %dma_start3A_1085, %dma_start3A_1086] : memref<4x128x128xf32, #tpu.memory_space<vmem>> -> memref<1x128x128xf32, #tpu.memory_space<vmem>>
      %dma_start3A_1088 = tpu.memref_squeeze %dma_start3A_1087 : memref<1x128x128xf32, #tpu.memory_space<vmem>> -> memref<128x128xf32, #tpu.memory_space<vmem>>
      %dma_start3A_1089 = arith.constant 32 : i32
      %dma_start3A_1090 = arith.constant 0 : i32
      %dma_start3A_1091 = tpu.memref_slice %dma_start3A_1088[%dma_start3A_1089, %dma_start3A_1090] : memref<128x128xf32, #tpu.memory_space<vmem>> -> memref<16x128xf32, #tpu.memory_space<vmem>>
      %dma_start3A_1092 = arith.constant 0 : i32
      %dma_start3A_1093 = arith.constant 0 : i32
      %dma_start3A_1094 = tpu.memref_slice %arg3[%dma_start3A_1092, %dma_start3A_1093] : memref<1000000x128xf32, #tpu.memory_space<hbm>> -> memref<1000000x128xf32, #tpu.memory_space<hbm>>
      tpu.enqueue_indirect_dma source(%dma_start3A_1094 : memref<1000000x128xf32, #tpu.memory_space<hbm>>) target(%dma_start3A_1091 : memref<16x128xf32, #tpu.memory_space<vmem>>) offsets(%get3A_1083 : vector<16xi32>) semaphore(%arg7 : memref<!tpu.dma_semaphore, #tpu.memory_space<semaphore_mem>>)
      %mul3A_1095 = arith.constant 128 : i32
      %mul3A_1096 = arith.muli %sub3A_1040, %mul3A_1095 : i32
      %add3A_1097 = arith.constant 48 : i32
      %add3A_1098 = arith.addi %mul3A_1096, %add3A_1097 : i32
      %get3A_1099 = arith.index_cast %add3A_1098 : i32 to index
      %get3A_1100 = tpu.vector_load %arg5[%get3A_1099] {strides = array<i32>} : memref<25600xi32, #tpu.memory_space<vmem>>, vector<16xi32>,
      %get3A_1101 = vector.shape_cast %get3A_1100 : vector<16xi32> to vector<16xi32>
      %dma_start3A_1102 = arith.constant 2 : i32
      %dma_start3A_1103 = arith.constant 0 : i32
      %dma_start3A_1104 = arith.constant 0 : i32
      %dma_start3A_1105 = tpu.memref_slice %arg6[%dma_start3A_1102, %dma_start3A_1103, %dma_start3A_1104] : memref<4x128x128xf32, #tpu.memory_space<vmem>> -> memref<1x128x128xf32, #tpu.memory_space<vmem>>
      %dma_start3A_1106 = tpu.memref_squeeze %dma_start3A_1105 : memref<1x128x128xf32, #tpu.memory_space<vmem>> -> memref<128x128xf32, #tpu.memory_space<vmem>>
      %dma_start3A_1107 = arith.constant 48 : i32
      %dma_start3A_1108 = arith.constant 0 : i32
      %dma_start3A_1109 = tpu.memref_slice %dma_start3A_1106[%dma_start3A_1107, %dma_start3A_1108] : memref<128x128xf32, #tpu.memory_space<vmem>> -> memref<16x128xf32, #tpu.memory_space<vmem>>
      %dma_start3A_1110 = arith.constant 0 : i32
      %dma_start3A_1111 = arith.constant 0 : i32
      %dma_start3A_1112 = tpu.memref_slice %arg3[%dma_start3A_1110, %dma_start3A_1111] : memref<1000000x128xf32, #tpu.memory_space<hbm>> -> memref<1000000x128xf32, #tpu.memory_space<hbm>>
      tpu.enqueue_indirect_dma source(%dma_start3A_1112 : memref<1000000x128xf32, #tpu.memory_space<hbm>>) target(%dma_start3A_1109 : memref<16x128xf32, #tpu.memory_space<vmem>>) offsets(%get3A_1101 : vector<16xi32>) semaphore(%arg7 : memref<!tpu.dma_semaphore, #tpu.memory_space<semaphore_mem>>)
      %mul3A_1113 = arith.constant 128 : i32
      %mul3A_1114 = arith.muli %sub3A_1040, %mul3A_1113 : i32
      %add3A_1115 = arith.constant 64 : i32
      %add3A_1116 = arith.addi %mul3A_1114, %add3A_1115 : i32
      %get3A_1117 = arith.index_cast %add3A_1116 : i32 to index
      %get3A_1118 = tpu.vector_load %arg5[%get3A_1117] {strides = array<i32>} : memref<25600xi32, #tpu.memory_space<vmem>>, vector<16xi32>,
      %get3A_1119 = vector.shape_cast %get3A_1118 : vector<16xi32> to vector<16xi32>
      %dma_start3A_1120 = arith.constant 2 : i32
      %dma_start3A_1121 = arith.constant 0 : i32
      %dma_start3A_1122 = arith.constant 0 : i32
      %dma_start3A_1123 = tpu.memref_slice %arg6[%dma_start3A_1120, %dma_start3A_1121, %dma_start3A_1122] : memref<4x128x128xf32, #tpu.memory_space<vmem>> -> memref<1x128x128xf32, #tpu.memory_space<vmem>>
      %dma_start3A_1124 = tpu.memref_squeeze %dma_start3A_1123 : memref<1x128x128xf32, #tpu.memory_space<vmem>> -> memref<128x128xf32, #tpu.memory_space<vmem>>
      %dma_start3A_1125 = arith.constant 64 : i32
      %dma_start3A_1126 = arith.constant 0 : i32
      %dma_start3A_1127 = tpu.memref_slice %dma_start3A_1124[%dma_start3A_1125, %dma_start3A_1126] : memref<128x128xf32, #tpu.memory_space<vmem>> -> memref<16x128xf32, #tpu.memory_space<vmem>>
      %dma_start3A_1128 = arith.constant 0 : i32
      %dma_start3A_1129 = arith.constant 0 : i32
      %dma_start3A_1130 = tpu.memref_slice %arg3[%dma_start3A_1128, %dma_start3A_1129] : memref<1000000x128xf32, #tpu.memory_space<hbm>> -> memref<1000000x128xf32, #tpu.memory_space<hbm>>
      tpu.enqueue_indirect_dma source(%dma_start3A_1130 : memref<1000000x128xf32, #tpu.memory_space<hbm>>) target(%dma_start3A_1127 : memref<16x128xf32, #tpu.memory_space<vmem>>) offsets(%get3A_1119 : vector<16xi32>) semaphore(%arg7 : memref<!tpu.dma_semaphore, #tpu.memory_space<semaphore_mem>>)
      %mul3A_1131 = arith.constant 128 : i32
      %mul3A_1132 = arith.muli %sub3A_1040, %mul3A_1131 : i32
      %add3A_1133 = arith.constant 80 : i32
      %add3A_1134 = arith.addi %mul3A_1132, %add3A_1133 : i32
      %get3A_1135 = arith.index_cast %add3A_1134 : i32 to index
      %get3A_1136 = tpu.vector_load %arg5[%get3A_1135] {strides = array<i32>} : memref<25600xi32, #tpu.memory_space<vmem>>, vector<16xi32>,
      %get3A_1137 = vector.shape_cast %get3A_1136 : vector<16xi32> to vector<16xi32>
      %dma_start3A_1138 = arith.constant 2 : i32
      %dma_start3A_1139 = arith.constant 0 : i32
      %dma_start3A_1140 = arith.constant 0 : i32
      %dma_start3A_1141 = tpu.memref_slice %arg6[%dma_start3A_1138, %dma_start3A_1139, %dma_start3A_1140] : memref<4x128x128xf32, #tpu.memory_space<vmem>> -> memref<1x128x128xf32, #tpu.memory_space<vmem>>
      %dma_start3A_1142 = tpu.memref_squeeze %dma_start3A_1141 : memref<1x128x128xf32, #tpu.memory_space<vmem>> -> memref<128x128xf32, #tpu.memory_space<vmem>>
      %dma_start3A_1143 = arith.constant 80 : i32
      %dma_start3A_1144 = arith.constant 0 : i32
      %dma_start3A_1145 = tpu.memref_slice %dma_start3A_1142[%dma_start3A_1143, %dma_start3A_1144] : memref<128x128xf32, #tpu.memory_space<vmem>> -> memref<16x128xf32, #tpu.memory_space<vmem>>
      %dma_start3A_1146 = arith.constant 0 : i32
      %dma_start3A_1147 = arith.constant 0 : i32
      %dma_start3A_1148 = tpu.memref_slice %arg3[%dma_start3A_1146, %dma_start3A_1147] : memref<1000000x128xf32, #tpu.memory_space<hbm>> -> memref<1000000x128xf32, #tpu.memory_space<hbm>>
      tpu.enqueue_indirect_dma source(%dma_start3A_1148 : memref<1000000x128xf32, #tpu.memory_space<hbm>>) target(%dma_start3A_1145 : memref<16x128xf32, #tpu.memory_space<vmem>>) offsets(%get3A_1137 : vector<16xi32>) semaphore(%arg7 : memref<!tpu.dma_semaphore, #tpu.memory_space<semaphore_mem>>)
      %mul3A_1149 = arith.constant 128 : i32
      %mul3A_1150 = arith.muli %sub3A_1040, %mul3A_1149 : i32
      %add3A_1151 = arith.constant 96 : i32
      %add3A_1152 = arith.addi %mul3A_1150, %add3A_1151 : i32
      %get3A_1153 = arith.index_cast %add3A_1152 : i32 to index
      %get3A_1154 = tpu.vector_load %arg5[%get3A_1153] {strides = array<i32>} : memref<25600xi32, #tpu.memory_space<vmem>>, vector<16xi32>,
      %get3A_1155 = vector.shape_cast %get3A_1154 : vector<16xi32> to vector<16xi32>
      %dma_start3A_1156 = arith.constant 2 : i32
      %dma_start3A_1157 = arith.constant 0 : i32
      %dma_start3A_1158 = arith.constant 0 : i32
      %dma_start3A_1159 = tpu.memref_slice %arg6[%dma_start3A_1156, %dma_start3A_1157, %dma_start3A_1158] : memref<4x128x128xf32, #tpu.memory_space<vmem>> -> memref<1x128x128xf32, #tpu.memory_space<vmem>>
      %dma_start3A_1160 = tpu.memref_squeeze %dma_start3A_1159 : memref<1x128x128xf32, #tpu.memory_space<vmem>> -> memref<128x128xf32, #tpu.memory_space<vmem>>
      %dma_start3A_1161 = arith.constant 96 : i32
      %dma_start3A_1162 = arith.constant 0 : i32
      %dma_start3A_1163 = tpu.memref_slice %dma_start3A_1160[%dma_start3A_1161, %dma_start3A_1162] : memref<128x128xf32, #tpu.memory_space<vmem>> -> memref<16x128xf32, #tpu.memory_space<vmem>>
      %dma_start3A_1164 = arith.constant 0 : i32
      %dma_start3A_1165 = arith.constant 0 : i32
      %dma_start3A_1166 = tpu.memref_slice %arg3[%dma_start3A_1164, %dma_start3A_1165] : memref<1000000x128xf32, #tpu.memory_space<hbm>> -> memref<1000000x128xf32, #tpu.memory_space<hbm>>
      tpu.enqueue_indirect_dma source(%dma_start3A_1166 : memref<1000000x128xf32, #tpu.memory_space<hbm>>) target(%dma_start3A_1163 : memref<16x128xf32, #tpu.memory_space<vmem>>) offsets(%get3A_1155 : vector<16xi32>) semaphore(%arg7 : memref<!tpu.dma_semaphore, #tpu.memory_space<semaphore_mem>>)
      %mul3A_1167 = arith.constant 128 : i32
      %mul3A_1168 = arith.muli %sub3A_1040, %mul3A_1167 : i32
      %add3A_1169 = arith.constant 112 : i32
      %add3A_1170 = arith.addi %mul3A_1168, %add3A_1169 : i32
      %get3A_1171 = arith.index_cast %add3A_1170 : i32 to index
      %get3A_1172 = tpu.vector_load %arg5[%get3A_1171] {strides = array<i32>} : memref<25600xi32, #tpu.memory_space<vmem>>, vector<16xi32>,
      %get3A_1173 = vector.shape_cast %get3A_1172 : vector<16xi32> to vector<16xi32>
      %dma_start3A_1174 = arith.constant 2 : i32
      %dma_start3A_1175 = arith.constant 0 : i32
      %dma_start3A_1176 = arith.constant 0 : i32
      %dma_start3A_1177 = tpu.memref_slice %arg6[%dma_start3A_1174, %dma_start3A_1175, %dma_start3A_1176] : memref<4x128x128xf32, #tpu.memory_space<vmem>> -> memref<1x128x128xf32, #tpu.memory_space<vmem>>
      %dma_start3A_1178 = tpu.memref_squeeze %dma_start3A_1177 : memref<1x128x128xf32, #tpu.memory_space<vmem>> -> memref<128x128xf32, #tpu.memory_space<vmem>>
      %dma_start3A_1179 = arith.constant 112 : i32
      %dma_start3A_1180 = arith.constant 0 : i32
      %dma_start3A_1181 = tpu.memref_slice %dma_start3A_1178[%dma_start3A_1179, %dma_start3A_1180] : memref<128x128xf32, #tpu.memory_space<vmem>> -> memref<16x128xf32, #tpu.memory_space<vmem>>
      %dma_start3A_1182 = arith.constant 0 : i32
      %dma_start3A_1183 = arith.constant 0 : i32
      %dma_start3A_1184 = tpu.memref_slice %arg3[%dma_start3A_1182, %dma_start3A_1183] : memref<1000000x128xf32, #tpu.memory_space<hbm>> -> memref<1000000x128xf32, #tpu.memory_space<hbm>>
      tpu.enqueue_indirect_dma source(%dma_start3A_1184 : memref<1000000x128xf32, #tpu.memory_space<hbm>>) target(%dma_start3A_1181 : memref<16x128xf32, #tpu.memory_space<vmem>>) offsets(%get3A_1173 : vector<16xi32>) semaphore(%arg7 : memref<!tpu.dma_semaphore, #tpu.memory_space<semaphore_mem>>)
      %dma_wait3A_1185 = arith.constant 0 : i32
      %dma_wait3A_1186 = arith.constant 0 : i32
      %dma_wait3A_1187 = arith.constant 0 : i32
      %dma_wait3A_1188 = tpu.memref_slice %arg6[%dma_wait3A_1185, %dma_wait3A_1186, %dma_wait3A_1187] : memref<4x128x128xf32, #tpu.memory_space<vmem>> -> memref<1x128x128xf32, #tpu.memory_space<vmem>>
      %dma_wait3A_1189 = tpu.memref_squeeze %dma_wait3A_1188 : memref<1x128x128xf32, #tpu.memory_space<vmem>> -> memref<128x128xf32, #tpu.memory_space<vmem>>
      %dma_wait3A_1190 = arith.constant 0 : i32
      %dma_wait3A_1191 = arith.constant 0 : i32
      %dma_wait3A_1192 = tpu.memref_slice %arg3[%dma_wait3A_1190, %dma_wait3A_1191] : memref<1000000x128xf32, #tpu.memory_space<hbm>> -> memref<128x128xf32, #tpu.memory_space<hbm>>
      %dma_wait3A_1193 = arith.constant 0 : i32
      %dma_wait3A_1194 = arith.constant 0 : i32
      %dma_wait3A_1195 = tpu.memref_slice %arg6[%dma_wait3A_1185, %dma_wait3A_1193, %dma_wait3A_1194] : memref<4x128x128xf32, #tpu.memory_space<vmem>> -> memref<1x128x128xf32, #tpu.memory_space<vmem>>
      %dma_wait3A_1196 = tpu.memref_squeeze %dma_wait3A_1195 : memref<1x128x128xf32, #tpu.memory_space<vmem>> -> memref<128x128xf32, #tpu.memory_space<vmem>>
      %dma_wait3A_1197 = arith.constant 0 : i32
      %dma_wait3A_1198 = arith.constant 0 : i32
      %dma_wait3A_1199 = tpu.memref_slice %arg3[%dma_wait3A_1197, %dma_wait3A_1198] : memref<1000000x128xf32, #tpu.memory_space<hbm>> -> memref<128x128xf32, #tpu.memory_space<hbm>>
      tpu.wait_dma2 semaphore(%arg7 : memref<!tpu.dma_semaphore, #tpu.memory_space<semaphore_mem>>) src(%dma_wait3A_1199 : memref<128x128xf32, #tpu.memory_space<hbm>>) dst(%dma_wait3A_1196 : memref<128x128xf32, #tpu.memory_space<vmem>>)
      %mul3A_1200 = arith.constant 128 : i32
      %mul3A_1201 = arith.muli %add3A_1023, %mul3A_1200 : i32
      %add3A_1202 = arith.addi %mul3A_2, %mul3A_1201 : i32
      %dma_start3A_1203 = arith.constant 0 : i32
      %dma_start3A_1204 = arith.constant 0 : i32
      %dma_start3A_1205 = arith.constant 0 : i32
      %dma_start3A_1206 = tpu.memref_slice %arg6[%dma_start3A_1203, %dma_start3A_1204, %dma_start3A_1205] : memref<4x128x128xf32, #tpu.memory_space<vmem>> -> memref<1x128x128xf32, #tpu.memory_space<vmem>>
      %dma_start3A_1207 = tpu.memref_squeeze %dma_start3A_1206 : memref<1x128x128xf32, #tpu.memory_space<vmem>> -> memref<128x128xf32, #tpu.memory_space<vmem>>
      %dma_start3A_1208 = arith.constant 0 : i32
      %dma_start3A_1209 = tpu.memref_slice %arg4[%add3A_1202, %dma_start3A_1208] : memref<819200x128xf32, #tpu.memory_space<hbm>> -> memref<128x128xf32, #tpu.memory_space<hbm>>
      %dma_start3A_1210 = arith.constant 0 : i32
      %dma_start3A_1211 = tpu.memref_slice %arg4[%add3A_1202, %dma_start3A_1210] : memref<819200x128xf32, #tpu.memory_space<hbm>> -> memref<128x128xf32, #tpu.memory_space<hbm>>
      %dma_start3A_1212 = arith.constant 0 : i32
      %dma_start3A_1213 = arith.constant 0 : i32
      %dma_start3A_1214 = tpu.memref_slice %arg6[%dma_start3A_1203, %dma_start3A_1212, %dma_start3A_1213] : memref<4x128x128xf32, #tpu.memory_space<vmem>> -> memref<1x128x128xf32, #tpu.memory_space<vmem>>
      %dma_start3A_1215 = tpu.memref_squeeze %dma_start3A_1214 : memref<1x128x128xf32, #tpu.memory_space<vmem>> -> memref<128x128xf32, #tpu.memory_space<vmem>>
      tpu.enqueue_dma source(%dma_start3A_1215 : memref<128x128xf32, #tpu.memory_space<vmem>>) target(%dma_start3A_1211 : memref<128x128xf32, #tpu.memory_space<hbm>>) target_semaphore(%arg8 : memref<!tpu.dma_semaphore, #tpu.memory_space<semaphore_mem>>)
      %add3A_1216 = arith.constant 2 : i32
      %add3A_1217 = arith.addi %add3A_628, %add3A_1216 : i32
      %add3A_1218 = arith.constant 3 : i32
      %add3A_1219 = arith.addi %add3A_1217, %add3A_1218 : i32
      %dma_wait3A_1220 = arith.constant 3 : i32
      %dma_wait3A_1221 = arith.constant 0 : i32
      %dma_wait3A_1222 = arith.constant 0 : i32
      %dma_wait3A_1223 = tpu.memref_slice %arg6[%dma_wait3A_1220, %dma_wait3A_1221, %dma_wait3A_1222] : memref<4x128x128xf32, #tpu.memory_space<vmem>> -> memref<1x128x128xf32, #tpu.memory_space<vmem>>
      %dma_wait3A_1224 = tpu.memref_squeeze %dma_wait3A_1223 : memref<1x128x128xf32, #tpu.memory_space<vmem>> -> memref<128x128xf32, #tpu.memory_space<vmem>>
      %dma_wait3A_1225 = arith.constant 0 : i32
      %dma_wait3A_1226 = tpu.memref_slice %arg4[%mul3A_2, %dma_wait3A_1225] : memref<819200x128xf32, #tpu.memory_space<hbm>> -> memref<128x128xf32, #tpu.memory_space<hbm>>
      %dma_wait3A_1227 = arith.constant 0 : i32
      %dma_wait3A_1228 = tpu.memref_slice %arg4[%mul3A_2, %dma_wait3A_1227] : memref<819200x128xf32, #tpu.memory_space<hbm>> -> memref<128x128xf32, #tpu.memory_space<hbm>>
      %dma_wait3A_1229 = arith.constant 0 : i32
      %dma_wait3A_1230 = arith.constant 0 : i32
      %dma_wait3A_1231 = tpu.memref_slice %arg6[%dma_wait3A_1220, %dma_wait3A_1229, %dma_wait3A_1230] : memref<4x128x128xf32, #tpu.memory_space<vmem>> -> memref<1x128x128xf32, #tpu.memory_space<vmem>>
      %dma_wait3A_1232 = tpu.memref_squeeze %dma_wait3A_1231 : memref<1x128x128xf32, #tpu.memory_space<vmem>> -> memref<128x128xf32, #tpu.memory_space<vmem>>
      tpu.wait_dma2 semaphore(%arg8 : memref<!tpu.dma_semaphore, #tpu.memory_space<semaphore_mem>>) src(%dma_wait3A_1232 : memref<128x128xf32, #tpu.memory_space<vmem>>) dst(%dma_wait3A_1228 : memref<128x128xf32, #tpu.memory_space<hbm>>)
      %add3A_1233 = arith.constant 4 : i32
      %add3A_1234 = arith.addi %add3A_1219, %add3A_1233 : i32
      %sub3A_1235 = arith.constant 2 : i32
      %sub3A_1236 = arith.subi %add3A_1234, %sub3A_1235 : i32
      %mul3A_1237 = arith.constant 128 : i32
      %mul3A_1238 = arith.muli %sub3A_1236, %mul3A_1237 : i32
      %add3A_1239 = arith.constant 0 : i32
      %add3A_1240 = arith.addi %mul3A_1238, %add3A_1239 : i32
      %get3A_1241 = arith.index_cast %add3A_1240 : i32 to index
      %get3A_1242 = tpu.vector_load %arg5[%get3A_1241] {strides = array<i32>} : memref<25600xi32, #tpu.memory_space<vmem>>, vector<16xi32>,
      %get3A_1243 = vector.shape_cast %get3A_1242 : vector<16xi32> to vector<16xi32>
      %dma_start3A_1244 = arith.constant 3 : i32
      %dma_start3A_1245 = arith.constant 0 : i32
      %dma_start3A_1246 = arith.constant 0 : i32
      %dma_start3A_1247 = tpu.memref_slice %arg6[%dma_start3A_1244, %dma_start3A_1245, %dma_start3A_1246] : memref<4x128x128xf32, #tpu.memory_space<vmem>> -> memref<1x128x128xf32, #tpu.memory_space<vmem>>
      %dma_start3A_1248 = tpu.memref_squeeze %dma_start3A_1247 : memref<1x128x128xf32, #tpu.memory_space<vmem>> -> memref<128x128xf32, #tpu.memory_space<vmem>>
      %dma_start3A_1249 = arith.constant 0 : i32
      %dma_start3A_1250 = arith.constant 0 : i32
      %dma_start3A_1251 = tpu.memref_slice %dma_start3A_1248[%dma_start3A_1249, %dma_start3A_1250] : memref<128x128xf32, #tpu.memory_space<vmem>> -> memref<16x128xf32, #tpu.memory_space<vmem>>
      %dma_start3A_1252 = arith.constant 0 : i32
      %dma_start3A_1253 = arith.constant 0 : i32
      %dma_start3A_1254 = tpu.memref_slice %arg3[%dma_start3A_1252, %dma_start3A_1253] : memref<1000000x128xf32, #tpu.memory_space<hbm>> -> memref<1000000x128xf32, #tpu.memory_space<hbm>>
      tpu.enqueue_indirect_dma source(%dma_start3A_1254 : memref<1000000x128xf32, #tpu.memory_space<hbm>>) target(%dma_start3A_1251 : memref<16x128xf32, #tpu.memory_space<vmem>>) offsets(%get3A_1243 : vector<16xi32>) semaphore(%arg7 : memref<!tpu.dma_semaphore, #tpu.memory_space<semaphore_mem>>)
      %mul3A_1255 = arith.constant 128 : i32
      %mul3A_1256 = arith.muli %sub3A_1236, %mul3A_1255 : i32
      %add3A_1257 = arith.constant 16 : i32
      %add3A_1258 = arith.addi %mul3A_1256, %add3A_1257 : i32
      %get3A_1259 = arith.index_cast %add3A_1258 : i32 to index
      %get3A_1260 = tpu.vector_load %arg5[%get3A_1259] {strides = array<i32>} : memref<25600xi32, #tpu.memory_space<vmem>>, vector<16xi32>,
      %get3A_1261 = vector.shape_cast %get3A_1260 : vector<16xi32> to vector<16xi32>
      %dma_start3A_1262 = arith.constant 3 : i32
      %dma_start3A_1263 = arith.constant 0 : i32
      %dma_start3A_1264 = arith.constant 0 : i32
      %dma_start3A_1265 = tpu.memref_slice %arg6[%dma_start3A_1262, %dma_start3A_1263, %dma_start3A_1264] : memref<4x128x128xf32, #tpu.memory_space<vmem>> -> memref<1x128x128xf32, #tpu.memory_space<vmem>>
      %dma_start3A_1266 = tpu.memref_squeeze %dma_start3A_1265 : memref<1x128x128xf32, #tpu.memory_space<vmem>> -> memref<128x128xf32, #tpu.memory_space<vmem>>
      %dma_start3A_1267 = arith.constant 16 : i32
      %dma_start3A_1268 = arith.constant 0 : i32
      %dma_start3A_1269 = tpu.memref_slice %dma_start3A_1266[%dma_start3A_1267, %dma_start3A_1268] : memref<128x128xf32, #tpu.memory_space<vmem>> -> memref<16x128xf32, #tpu.memory_space<vmem>>
      %dma_start3A_1270 = arith.constant 0 : i32
      %dma_start3A_1271 = arith.constant 0 : i32
      %dma_start3A_1272 = tpu.memref_slice %arg3[%dma_start3A_1270, %dma_start3A_1271] : memref<1000000x128xf32, #tpu.memory_space<hbm>> -> memref<1000000x128xf32, #tpu.memory_space<hbm>>
      tpu.enqueue_indirect_dma source(%dma_start3A_1272 : memref<1000000x128xf32, #tpu.memory_space<hbm>>) target(%dma_start3A_1269 : memref<16x128xf32, #tpu.memory_space<vmem>>) offsets(%get3A_1261 : vector<16xi32>) semaphore(%arg7 : memref<!tpu.dma_semaphore, #tpu.memory_space<semaphore_mem>>)
      %mul3A_1273 = arith.constant 128 : i32
      %mul3A_1274 = arith.muli %sub3A_1236, %mul3A_1273 : i32
      %add3A_1275 = arith.constant 32 : i32
      %add3A_1276 = arith.addi %mul3A_1274, %add3A_1275 : i32
      %get3A_1277 = arith.index_cast %add3A_1276 : i32 to index
      %get3A_1278 = tpu.vector_load %arg5[%get3A_1277] {strides = array<i32>} : memref<25600xi32, #tpu.memory_space<vmem>>, vector<16xi32>,
      %get3A_1279 = vector.shape_cast %get3A_1278 : vector<16xi32> to vector<16xi32>
      %dma_start3A_1280 = arith.constant 3 : i32
      %dma_start3A_1281 = arith.constant 0 : i32
      %dma_start3A_1282 = arith.constant 0 : i32
      %dma_start3A_1283 = tpu.memref_slice %arg6[%dma_start3A_1280, %dma_start3A_1281, %dma_start3A_1282] : memref<4x128x128xf32, #tpu.memory_space<vmem>> -> memref<1x128x128xf32, #tpu.memory_space<vmem>>
      %dma_start3A_1284 = tpu.memref_squeeze %dma_start3A_1283 : memref<1x128x128xf32, #tpu.memory_space<vmem>> -> memref<128x128xf32, #tpu.memory_space<vmem>>
      %dma_start3A_1285 = arith.constant 32 : i32
      %dma_start3A_1286 = arith.constant 0 : i32
      %dma_start3A_1287 = tpu.memref_slice %dma_start3A_1284[%dma_start3A_1285, %dma_start3A_1286] : memref<128x128xf32, #tpu.memory_space<vmem>> -> memref<16x128xf32, #tpu.memory_space<vmem>>
      %dma_start3A_1288 = arith.constant 0 : i32
      %dma_start3A_1289 = arith.constant 0 : i32
      %dma_start3A_1290 = tpu.memref_slice %arg3[%dma_start3A_1288, %dma_start3A_1289] : memref<1000000x128xf32, #tpu.memory_space<hbm>> -> memref<1000000x128xf32, #tpu.memory_space<hbm>>
      tpu.enqueue_indirect_dma source(%dma_start3A_1290 : memref<1000000x128xf32, #tpu.memory_space<hbm>>) target(%dma_start3A_1287 : memref<16x128xf32, #tpu.memory_space<vmem>>) offsets(%get3A_1279 : vector<16xi32>) semaphore(%arg7 : memref<!tpu.dma_semaphore, #tpu.memory_space<semaphore_mem>>)
      %mul3A_1291 = arith.constant 128 : i32
      %mul3A_1292 = arith.muli %sub3A_1236, %mul3A_1291 : i32
      %add3A_1293 = arith.constant 48 : i32
      %add3A_1294 = arith.addi %mul3A_1292, %add3A_1293 : i32
      %get3A_1295 = arith.index_cast %add3A_1294 : i32 to index
      %get3A_1296 = tpu.vector_load %arg5[%get3A_1295] {strides = array<i32>} : memref<25600xi32, #tpu.memory_space<vmem>>, vector<16xi32>,
      %get3A_1297 = vector.shape_cast %get3A_1296 : vector<16xi32> to vector<16xi32>
      %dma_start3A_1298 = arith.constant 3 : i32
      %dma_start3A_1299 = arith.constant 0 : i32
      %dma_start3A_1300 = arith.constant 0 : i32
      %dma_start3A_1301 = tpu.memref_slice %arg6[%dma_start3A_1298, %dma_start3A_1299, %dma_start3A_1300] : memref<4x128x128xf32, #tpu.memory_space<vmem>> -> memref<1x128x128xf32, #tpu.memory_space<vmem>>
      %dma_start3A_1302 = tpu.memref_squeeze %dma_start3A_1301 : memref<1x128x128xf32, #tpu.memory_space<vmem>> -> memref<128x128xf32, #tpu.memory_space<vmem>>
      %dma_start3A_1303 = arith.constant 48 : i32
      %dma_start3A_1304 = arith.constant 0 : i32
      %dma_start3A_1305 = tpu.memref_slice %dma_start3A_1302[%dma_start3A_1303, %dma_start3A_1304] : memref<128x128xf32, #tpu.memory_space<vmem>> -> memref<16x128xf32, #tpu.memory_space<vmem>>
      %dma_start3A_1306 = arith.constant 0 : i32
      %dma_start3A_1307 = arith.constant 0 : i32
      %dma_start3A_1308 = tpu.memref_slice %arg3[%dma_start3A_1306, %dma_start3A_1307] : memref<1000000x128xf32, #tpu.memory_space<hbm>> -> memref<1000000x128xf32, #tpu.memory_space<hbm>>
      tpu.enqueue_indirect_dma source(%dma_start3A_1308 : memref<1000000x128xf32, #tpu.memory_space<hbm>>) target(%dma_start3A_1305 : memref<16x128xf32, #tpu.memory_space<vmem>>) offsets(%get3A_1297 : vector<16xi32>) semaphore(%arg7 : memref<!tpu.dma_semaphore, #tpu.memory_space<semaphore_mem>>)
      %mul3A_1309 = arith.constant 128 : i32
      %mul3A_1310 = arith.muli %sub3A_1236, %mul3A_1309 : i32
      %add3A_1311 = arith.constant 64 : i32
      %add3A_1312 = arith.addi %mul3A_1310, %add3A_1311 : i32
      %get3A_1313 = arith.index_cast %add3A_1312 : i32 to index
      %get3A_1314 = tpu.vector_load %arg5[%get3A_1313] {strides = array<i32>} : memref<25600xi32, #tpu.memory_space<vmem>>, vector<16xi32>,
      %get3A_1315 = vector.shape_cast %get3A_1314 : vector<16xi32> to vector<16xi32>
      %dma_start3A_1316 = arith.constant 3 : i32
      %dma_start3A_1317 = arith.constant 0 : i32
      %dma_start3A_1318 = arith.constant 0 : i32
      %dma_start3A_1319 = tpu.memref_slice %arg6[%dma_start3A_1316, %dma_start3A_1317, %dma_start3A_1318] : memref<4x128x128xf32, #tpu.memory_space<vmem>> -> memref<1x128x128xf32, #tpu.memory_space<vmem>>
      %dma_start3A_1320 = tpu.memref_squeeze %dma_start3A_1319 : memref<1x128x128xf32, #tpu.memory_space<vmem>> -> memref<128x128xf32, #tpu.memory_space<vmem>>
      %dma_start3A_1321 = arith.constant 64 : i32
      %dma_start3A_1322 = arith.constant 0 : i32
      %dma_start3A_1323 = tpu.memref_slice %dma_start3A_1320[%dma_start3A_1321, %dma_start3A_1322] : memref<128x128xf32, #tpu.memory_space<vmem>> -> memref<16x128xf32, #tpu.memory_space<vmem>>
      %dma_start3A_1324 = arith.constant 0 : i32
      %dma_start3A_1325 = arith.constant 0 : i32
      %dma_start3A_1326 = tpu.memref_slice %arg3[%dma_start3A_1324, %dma_start3A_1325] : memref<1000000x128xf32, #tpu.memory_space<hbm>> -> memref<1000000x128xf32, #tpu.memory_space<hbm>>
      tpu.enqueue_indirect_dma source(%dma_start3A_1326 : memref<1000000x128xf32, #tpu.memory_space<hbm>>) target(%dma_start3A_1323 : memref<16x128xf32, #tpu.memory_space<vmem>>) offsets(%get3A_1315 : vector<16xi32>) semaphore(%arg7 : memref<!tpu.dma_semaphore, #tpu.memory_space<semaphore_mem>>)
      %mul3A_1327 = arith.constant 128 : i32
      %mul3A_1328 = arith.muli %sub3A_1236, %mul3A_1327 : i32
      %add3A_1329 = arith.constant 80 : i32
      %add3A_1330 = arith.addi %mul3A_1328, %add3A_1329 : i32
      %get3A_1331 = arith.index_cast %add3A_1330 : i32 to index
      %get3A_1332 = tpu.vector_load %arg5[%get3A_1331] {strides = array<i32>} : memref<25600xi32, #tpu.memory_space<vmem>>, vector<16xi32>,
      %get3A_1333 = vector.shape_cast %get3A_1332 : vector<16xi32> to vector<16xi32>
      %dma_start3A_1334 = arith.constant 3 : i32
      %dma_start3A_1335 = arith.constant 0 : i32
      %dma_start3A_1336 = arith.constant 0 : i32
      %dma_start3A_1337 = tpu.memref_slice %arg6[%dma_start3A_1334, %dma_start3A_1335, %dma_start3A_1336] : memref<4x128x128xf32, #tpu.memory_space<vmem>> -> memref<1x128x128xf32, #tpu.memory_space<vmem>>
      %dma_start3A_1338 = tpu.memref_squeeze %dma_start3A_1337 : memref<1x128x128xf32, #tpu.memory_space<vmem>> -> memref<128x128xf32, #tpu.memory_space<vmem>>
      %dma_start3A_1339 = arith.constant 80 : i32
      %dma_start3A_1340 = arith.constant 0 : i32
      %dma_start3A_1341 = tpu.memref_slice %dma_start3A_1338[%dma_start3A_1339, %dma_start3A_1340] : memref<128x128xf32, #tpu.memory_space<vmem>> -> memref<16x128xf32, #tpu.memory_space<vmem>>
      %dma_start3A_1342 = arith.constant 0 : i32
      %dma_start3A_1343 = arith.constant 0 : i32
      %dma_start3A_1344 = tpu.memref_slice %arg3[%dma_start3A_1342, %dma_start3A_1343] : memref<1000000x128xf32, #tpu.memory_space<hbm>> -> memref<1000000x128xf32, #tpu.memory_space<hbm>>
      tpu.enqueue_indirect_dma source(%dma_start3A_1344 : memref<1000000x128xf32, #tpu.memory_space<hbm>>) target(%dma_start3A_1341 : memref<16x128xf32, #tpu.memory_space<vmem>>) offsets(%get3A_1333 : vector<16xi32>) semaphore(%arg7 : memref<!tpu.dma_semaphore, #tpu.memory_space<semaphore_mem>>)
      %mul3A_1345 = arith.constant 128 : i32
      %mul3A_1346 = arith.muli %sub3A_1236, %mul3A_1345 : i32
      %add3A_1347 = arith.constant 96 : i32
      %add3A_1348 = arith.addi %mul3A_1346, %add3A_1347 : i32
      %get3A_1349 = arith.index_cast %add3A_1348 : i32 to index
      %get3A_1350 = tpu.vector_load %arg5[%get3A_1349] {strides = array<i32>} : memref<25600xi32, #tpu.memory_space<vmem>>, vector<16xi32>,
      %get3A_1351 = vector.shape_cast %get3A_1350 : vector<16xi32> to vector<16xi32>
      %dma_start3A_1352 = arith.constant 3 : i32
      %dma_start3A_1353 = arith.constant 0 : i32
      %dma_start3A_1354 = arith.constant 0 : i32
      %dma_start3A_1355 = tpu.memref_slice %arg6[%dma_start3A_1352, %dma_start3A_1353, %dma_start3A_1354] : memref<4x128x128xf32, #tpu.memory_space<vmem>> -> memref<1x128x128xf32, #tpu.memory_space<vmem>>
      %dma_start3A_1356 = tpu.memref_squeeze %dma_start3A_1355 : memref<1x128x128xf32, #tpu.memory_space<vmem>> -> memref<128x128xf32, #tpu.memory_space<vmem>>
      %dma_start3A_1357 = arith.constant 96 : i32
      %dma_start3A_1358 = arith.constant 0 : i32
      %dma_start3A_1359 = tpu.memref_slice %dma_start3A_1356[%dma_start3A_1357, %dma_start3A_1358] : memref<128x128xf32, #tpu.memory_space<vmem>> -> memref<16x128xf32, #tpu.memory_space<vmem>>
      %dma_start3A_1360 = arith.constant 0 : i32
      %dma_start3A_1361 = arith.constant 0 : i32
      %dma_start3A_1362 = tpu.memref_slice %arg3[%dma_start3A_1360, %dma_start3A_1361] : memref<1000000x128xf32, #tpu.memory_space<hbm>> -> memref<1000000x128xf32, #tpu.memory_space<hbm>>
      tpu.enqueue_indirect_dma source(%dma_start3A_1362 : memref<1000000x128xf32, #tpu.memory_space<hbm>>) target(%dma_start3A_1359 : memref<16x128xf32, #tpu.memory_space<vmem>>) offsets(%get3A_1351 : vector<16xi32>) semaphore(%arg7 : memref<!tpu.dma_semaphore, #tpu.memory_space<semaphore_mem>>)
      %mul3A_1363 = arith.constant 128 : i32
      %mul3A_1364 = arith.muli %sub3A_1236, %mul3A_1363 : i32
      %add3A_1365 = arith.constant 112 : i32
      %add3A_1366 = arith.addi %mul3A_1364, %add3A_1365 : i32
      %get3A_1367 = arith.index_cast %add3A_1366 : i32 to index
      %get3A_1368 = tpu.vector_load %arg5[%get3A_1367] {strides = array<i32>} : memref<25600xi32, #tpu.memory_space<vmem>>, vector<16xi32>,
      %get3A_1369 = vector.shape_cast %get3A_1368 : vector<16xi32> to vector<16xi32>
      %dma_start3A_1370 = arith.constant 3 : i32
      %dma_start3A_1371 = arith.constant 0 : i32
      %dma_start3A_1372 = arith.constant 0 : i32
      %dma_start3A_1373 = tpu.memref_slice %arg6[%dma_start3A_1370, %dma_start3A_1371, %dma_start3A_1372] : memref<4x128x128xf32, #tpu.memory_space<vmem>> -> memref<1x128x128xf32, #tpu.memory_space<vmem>>
      %dma_start3A_1374 = tpu.memref_squeeze %dma_start3A_1373 : memref<1x128x128xf32, #tpu.memory_space<vmem>> -> memref<128x128xf32, #tpu.memory_space<vmem>>
      %dma_start3A_1375 = arith.constant 112 : i32
      %dma_start3A_1376 = arith.constant 0 : i32
      %dma_start3A_1377 = tpu.memref_slice %dma_start3A_1374[%dma_start3A_1375, %dma_start3A_1376] : memref<128x128xf32, #tpu.memory_space<vmem>> -> memref<16x128xf32, #tpu.memory_space<vmem>>
      %dma_start3A_1378 = arith.constant 0 : i32
      %dma_start3A_1379 = arith.constant 0 : i32
      %dma_start3A_1380 = tpu.memref_slice %arg3[%dma_start3A_1378, %dma_start3A_1379] : memref<1000000x128xf32, #tpu.memory_space<hbm>> -> memref<1000000x128xf32, #tpu.memory_space<hbm>>
      tpu.enqueue_indirect_dma source(%dma_start3A_1380 : memref<1000000x128xf32, #tpu.memory_space<hbm>>) target(%dma_start3A_1377 : memref<16x128xf32, #tpu.memory_space<vmem>>) offsets(%get3A_1369 : vector<16xi32>) semaphore(%arg7 : memref<!tpu.dma_semaphore, #tpu.memory_space<semaphore_mem>>)
      %dma_wait3A_1381 = arith.constant 1 : i32
      %dma_wait3A_1382 = arith.constant 0 : i32
      %dma_wait3A_1383 = arith.constant 0 : i32
      %dma_wait3A_1384 = tpu.memref_slice %arg6[%dma_wait3A_1381, %dma_wait3A_1382, %dma_wait3A_1383] : memref<4x128x128xf32, #tpu.memory_space<vmem>> -> memref<1x128x128xf32, #tpu.memory_space<vmem>>
      %dma_wait3A_1385 = tpu.memref_squeeze %dma_wait3A_1384 : memref<1x128x128xf32, #tpu.memory_space<vmem>> -> memref<128x128xf32, #tpu.memory_space<vmem>>
      %dma_wait3A_1386 = arith.constant 0 : i32
      %dma_wait3A_1387 = arith.constant 0 : i32
      %dma_wait3A_1388 = tpu.memref_slice %arg3[%dma_wait3A_1386, %dma_wait3A_1387] : memref<1000000x128xf32, #tpu.memory_space<hbm>> -> memref<128x128xf32, #tpu.memory_space<hbm>>
      %dma_wait3A_1389 = arith.constant 0 : i32
      %dma_wait3A_1390 = arith.constant 0 : i32
      %dma_wait3A_1391 = tpu.memref_slice %arg6[%dma_wait3A_1381, %dma_wait3A_1389, %dma_wait3A_1390] : memref<4x128x128xf32, #tpu.memory_space<vmem>> -> memref<1x128x128xf32, #tpu.memory_space<vmem>>
      %dma_wait3A_1392 = tpu.memref_squeeze %dma_wait3A_1391 : memref<1x128x128xf32, #tpu.memory_space<vmem>> -> memref<128x128xf32, #tpu.memory_space<vmem>>
      %dma_wait3A_1393 = arith.constant 0 : i32
      %dma_wait3A_1394 = arith.constant 0 : i32
      %dma_wait3A_1395 = tpu.memref_slice %arg3[%dma_wait3A_1393, %dma_wait3A_1394] : memref<1000000x128xf32, #tpu.memory_space<hbm>> -> memref<128x128xf32, #tpu.memory_space<hbm>>
      tpu.wait_dma2 semaphore(%arg7 : memref<!tpu.dma_semaphore, #tpu.memory_space<semaphore_mem>>) src(%dma_wait3A_1395 : memref<128x128xf32, #tpu.memory_space<hbm>>) dst(%dma_wait3A_1392 : memref<128x128xf32, #tpu.memory_space<vmem>>)
      %mul3A_1396 = arith.constant 128 : i32
      %mul3A_1397 = arith.muli %add3A_1219, %mul3A_1396 : i32
      %add3A_1398 = arith.addi %mul3A_2, %mul3A_1397 : i32
      %dma_start3A_1399 = arith.constant 1 : i32
      %dma_start3A_1400 = arith.constant 0 : i32
      %dma_start3A_1401 = arith.constant 0 : i32
      %dma_start3A_1402 = tpu.memref_slice %arg6[%dma_start3A_1399, %dma_start3A_1400, %dma_start3A_1401] : memref<4x128x128xf32, #tpu.memory_space<vmem>> -> memref<1x128x128xf32, #tpu.memory_space<vmem>>
      %dma_start3A_1403 = tpu.memref_squeeze %dma_start3A_1402 : memref<1x128x128xf32, #tpu.memory_space<vmem>> -> memref<128x128xf32, #tpu.memory_space<vmem>>
      %dma_start3A_1404 = arith.constant 0 : i32
      %dma_start3A_1405 = tpu.memref_slice %arg4[%add3A_1398, %dma_start3A_1404] : memref<819200x128xf32, #tpu.memory_space<hbm>> -> memref<128x128xf32, #tpu.memory_space<hbm>>
      %dma_start3A_1406 = arith.constant 0 : i32
      %dma_start3A_1407 = tpu.memref_slice %arg4[%add3A_1398, %dma_start3A_1406] : memref<819200x128xf32, #tpu.memory_space<hbm>> -> memref<128x128xf32, #tpu.memory_space<hbm>>
      %dma_start3A_1408 = arith.constant 0 : i32
      %dma_start3A_1409 = arith.constant 0 : i32
      %dma_start3A_1410 = tpu.memref_slice %arg6[%dma_start3A_1399, %dma_start3A_1408, %dma_start3A_1409] : memref<4x128x128xf32, #tpu.memory_space<vmem>> -> memref<1x128x128xf32, #tpu.memory_space<vmem>>
      %dma_start3A_1411 = tpu.memref_squeeze %dma_start3A_1410 : memref<1x128x128xf32, #tpu.memory_space<vmem>> -> memref<128x128xf32, #tpu.memory_space<vmem>>
      tpu.enqueue_dma source(%dma_start3A_1411 : memref<128x128xf32, #tpu.memory_space<vmem>>) target(%dma_start3A_1407 : memref<128x128xf32, #tpu.memory_space<hbm>>) target_semaphore(%arg8 : memref<!tpu.dma_semaphore, #tpu.memory_space<semaphore_mem>>)
    }
    %scan3A_511 = arith.constant 49 : i32
    %dma_wait3A_512 = arith.constant 0 : i32
    %dma_wait3A_513 = arith.constant 0 : i32
    %dma_wait3A_514 = arith.constant 0 : i32
    %dma_wait3A_515 = tpu.memref_slice %arg6[%dma_wait3A_512, %dma_wait3A_513, %dma_wait3A_514] : memref<4x128x128xf32, #tpu.memory_space<vmem>> -> memref<1x128x128xf32, #tpu.memory_space<vmem>>
    %dma_wait3A_516 = tpu.memref_squeeze %dma_wait3A_515 : memref<1x128x128xf32, #tpu.memory_space<vmem>> -> memref<128x128xf32, #tpu.memory_space<vmem>>
    %dma_wait3A_517 = arith.constant 0 : i32
    %dma_wait3A_518 = tpu.memref_slice %arg4[%mul3A_2, %dma_wait3A_517] : memref<819200x128xf32, #tpu.memory_space<hbm>> -> memref<128x128xf32, #tpu.memory_space<hbm>>
    %dma_wait3A_519 = arith.constant 0 : i32
    %dma_wait3A_520 = tpu.memref_slice %arg4[%mul3A_2, %dma_wait3A_519] : memref<819200x128xf32, #tpu.memory_space<hbm>> -> memref<128x128xf32, #tpu.memory_space<hbm>>
    %dma_wait3A_521 = arith.constant 0 : i32
    %dma_wait3A_522 = arith.constant 0 : i32
    %dma_wait3A_523 = tpu.memref_slice %arg6[%dma_wait3A_512, %dma_wait3A_521, %dma_wait3A_522] : memref<4x128x128xf32, #tpu.memory_space<vmem>> -> memref<1x128x128xf32, #tpu.memory_space<vmem>>
    %dma_wait3A_524 = tpu.memref_squeeze %dma_wait3A_523 : memref<1x128x128xf32, #tpu.memory_space<vmem>> -> memref<128x128xf32, #tpu.memory_space<vmem>>
    tpu.wait_dma2 semaphore(%arg8 : memref<!tpu.dma_semaphore, #tpu.memory_space<semaphore_mem>>) src(%dma_wait3A_524 : memref<128x128xf32, #tpu.memory_space<vmem>>) dst(%dma_wait3A_520 : memref<128x128xf32, #tpu.memory_space<hbm>>)
    %dma_wait3A_525 = arith.constant 2 : i32
    %dma_wait3A_526 = arith.constant 0 : i32
    %dma_wait3A_527 = arith.constant 0 : i32
    %dma_wait3A_528 = tpu.memref_slice %arg6[%dma_wait3A_525, %dma_wait3A_526, %dma_wait3A_527] : memref<4x128x128xf32, #tpu.memory_space<vmem>> -> memref<1x128x128xf32, #tpu.memory_space<vmem>>
    %dma_wait3A_529 = tpu.memref_squeeze %dma_wait3A_528 : memref<1x128x128xf32, #tpu.memory_space<vmem>> -> memref<128x128xf32, #tpu.memory_space<vmem>>
    %dma_wait3A_530 = arith.constant 0 : i32
    %dma_wait3A_531 = arith.constant 0 : i32
    %dma_wait3A_532 = tpu.memref_slice %arg3[%dma_wait3A_530, %dma_wait3A_531] : memref<1000000x128xf32, #tpu.memory_space<hbm>> -> memref<128x128xf32, #tpu.memory_space<hbm>>
    %dma_wait3A_533 = arith.constant 0 : i32
    %dma_wait3A_534 = arith.constant 0 : i32
    %dma_wait3A_535 = tpu.memref_slice %arg6[%dma_wait3A_525, %dma_wait3A_533, %dma_wait3A_534] : memref<4x128x128xf32, #tpu.memory_space<vmem>> -> memref<1x128x128xf32, #tpu.memory_space<vmem>>
    %dma_wait3A_536 = tpu.memref_squeeze %dma_wait3A_535 : memref<1x128x128xf32, #tpu.memory_space<vmem>> -> memref<128x128xf32, #tpu.memory_space<vmem>>
    %dma_wait3A_537 = arith.constant 0 : i32
    %dma_wait3A_538 = arith.constant 0 : i32
    %dma_wait3A_539 = tpu.memref_slice %arg3[%dma_wait3A_537, %dma_wait3A_538] : memref<1000000x128xf32, #tpu.memory_space<hbm>> -> memref<128x128xf32, #tpu.memory_space<hbm>>
    tpu.wait_dma2 semaphore(%arg7 : memref<!tpu.dma_semaphore, #tpu.memory_space<semaphore_mem>>) src(%dma_wait3A_539 : memref<128x128xf32, #tpu.memory_space<hbm>>) dst(%dma_wait3A_536 : memref<128x128xf32, #tpu.memory_space<vmem>>)
    %add3A_540 = arith.constant 25344 : i32
    %add3A_541 = arith.addi %mul3A_2, %add3A_540 : i32
    %dma_start3A_542 = arith.constant 2 : i32
    %dma_start3A_543 = arith.constant 0 : i32
    %dma_start3A_544 = arith.constant 0 : i32
    %dma_start3A_545 = tpu.memref_slice %arg6[%dma_start3A_542, %dma_start3A_543, %dma_start3A_544] : memref<4x128x128xf32, #tpu.memory_space<vmem>> -> memref<1x128x128xf32, #tpu.memory_space<vmem>>
    %dma_start3A_546 = tpu.memref_squeeze %dma_start3A_545 : memref<1x128x128xf32, #tpu.memory_space<vmem>> -> memref<128x128xf32, #tpu.memory_space<vmem>>
    %dma_start3A_547 = arith.constant 0 : i32
    %dma_start3A_548 = tpu.memref_slice %arg4[%add3A_541, %dma_start3A_547] : memref<819200x128xf32, #tpu.memory_space<hbm>> -> memref<128x128xf32, #tpu.memory_space<hbm>>
    %dma_start3A_549 = arith.constant 0 : i32
    %dma_start3A_550 = tpu.memref_slice %arg4[%add3A_541, %dma_start3A_549] : memref<819200x128xf32, #tpu.memory_space<hbm>> -> memref<128x128xf32, #tpu.memory_space<hbm>>
    %dma_start3A_551 = arith.constant 0 : i32
    %dma_start3A_552 = arith.constant 0 : i32
    %dma_start3A_553 = tpu.memref_slice %arg6[%dma_start3A_542, %dma_start3A_551, %dma_start3A_552] : memref<4x128x128xf32, #tpu.memory_space<vmem>> -> memref<1x128x128xf32, #tpu.memory_space<vmem>>
    %dma_start3A_554 = tpu.memref_squeeze %dma_start3A_553 : memref<1x128x128xf32, #tpu.memory_space<vmem>> -> memref<128x128xf32, #tpu.memory_space<vmem>>
    tpu.enqueue_dma source(%dma_start3A_554 : memref<128x128xf32, #tpu.memory_space<vmem>>) target(%dma_start3A_550 : memref<128x128xf32, #tpu.memory_space<hbm>>) target_semaphore(%arg8 : memref<!tpu.dma_semaphore, #tpu.memory_space<semaphore_mem>>)
    %dma_wait3A_555 = arith.constant 1 : i32
    %dma_wait3A_556 = arith.constant 0 : i32
    %dma_wait3A_557 = arith.constant 0 : i32
    %dma_wait3A_558 = tpu.memref_slice %arg6[%dma_wait3A_555, %dma_wait3A_556, %dma_wait3A_557] : memref<4x128x128xf32, #tpu.memory_space<vmem>> -> memref<1x128x128xf32, #tpu.memory_space<vmem>>
    %dma_wait3A_559 = tpu.memref_squeeze %dma_wait3A_558 : memref<1x128x128xf32, #tpu.memory_space<vmem>> -> memref<128x128xf32, #tpu.memory_space<vmem>>
    %dma_wait3A_560 = arith.constant 0 : i32
    %dma_wait3A_561 = tpu.memref_slice %arg4[%mul3A_2, %dma_wait3A_560] : memref<819200x128xf32, #tpu.memory_space<hbm>> -> memref<128x128xf32, #tpu.memory_space<hbm>>
    %dma_wait3A_562 = arith.constant 0 : i32
    %dma_wait3A_563 = tpu.memref_slice %arg4[%mul3A_2, %dma_wait3A_562] : memref<819200x128xf32, #tpu.memory_space<hbm>> -> memref<128x128xf32, #tpu.memory_space<hbm>>
    %dma_wait3A_564 = arith.constant 0 : i32
    %dma_wait3A_565 = arith.constant 0 : i32
    %dma_wait3A_566 = tpu.memref_slice %arg6[%dma_wait3A_555, %dma_wait3A_564, %dma_wait3A_565] : memref<4x128x128xf32, #tpu.memory_space<vmem>> -> memref<1x128x128xf32, #tpu.memory_space<vmem>>
    %dma_wait3A_567 = tpu.memref_squeeze %dma_wait3A_566 : memref<1x128x128xf32, #tpu.memory_space<vmem>> -> memref<128x128xf32, #tpu.memory_space<vmem>>
    tpu.wait_dma2 semaphore(%arg8 : memref<!tpu.dma_semaphore, #tpu.memory_space<semaphore_mem>>) src(%dma_wait3A_567 : memref<128x128xf32, #tpu.memory_space<vmem>>) dst(%dma_wait3A_563 : memref<128x128xf32, #tpu.memory_space<hbm>>)
    %dma_wait3A_568 = arith.constant 3 : i32
    %dma_wait3A_569 = arith.constant 0 : i32
    %dma_wait3A_570 = arith.constant 0 : i32
    %dma_wait3A_571 = tpu.memref_slice %arg6[%dma_wait3A_568, %dma_wait3A_569, %dma_wait3A_570] : memref<4x128x128xf32, #tpu.memory_space<vmem>> -> memref<1x128x128xf32, #tpu.memory_space<vmem>>
    %dma_wait3A_572 = tpu.memref_squeeze %dma_wait3A_571 : memref<1x128x128xf32, #tpu.memory_space<vmem>> -> memref<128x128xf32, #tpu.memory_space<vmem>>
    %dma_wait3A_573 = arith.constant 0 : i32
    %dma_wait3A_574 = arith.constant 0 : i32
    %dma_wait3A_575 = tpu.memref_slice %arg3[%dma_wait3A_573, %dma_wait3A_574] : memref<1000000x128xf32, #tpu.memory_space<hbm>> -> memref<128x128xf32, #tpu.memory_space<hbm>>
    %dma_wait3A_576 = arith.constant 0 : i32
    %dma_wait3A_577 = arith.constant 0 : i32
    %dma_wait3A_578 = tpu.memref_slice %arg6[%dma_wait3A_568, %dma_wait3A_576, %dma_wait3A_577] : memref<4x128x128xf32, #tpu.memory_space<vmem>> -> memref<1x128x128xf32, #tpu.memory_space<vmem>>
    %dma_wait3A_579 = tpu.memref_squeeze %dma_wait3A_578 : memref<1x128x128xf32, #tpu.memory_space<vmem>> -> memref<128x128xf32, #tpu.memory_space<vmem>>
    %dma_wait3A_580 = arith.constant 0 : i32
    %dma_wait3A_581 = arith.constant 0 : i32
    %dma_wait3A_582 = tpu.memref_slice %arg3[%dma_wait3A_580, %dma_wait3A_581] : memref<1000000x128xf32, #tpu.memory_space<hbm>> -> memref<128x128xf32, #tpu.memory_space<hbm>>
    tpu.wait_dma2 semaphore(%arg7 : memref<!tpu.dma_semaphore, #tpu.memory_space<semaphore_mem>>) src(%dma_wait3A_582 : memref<128x128xf32, #tpu.memory_space<hbm>>) dst(%dma_wait3A_579 : memref<128x128xf32, #tpu.memory_space<vmem>>)
    %add3A_583 = arith.constant 25472 : i32
    %add3A_584 = arith.addi %mul3A_2, %add3A_583 : i32
    %dma_start3A_585 = arith.constant 3 : i32
    %dma_start3A_586 = arith.constant 0 : i32
    %dma_start3A_587 = arith.constant 0 : i32
    %dma_start3A_588 = tpu.memref_slice %arg6[%dma_start3A_585, %dma_start3A_586, %dma_start3A_587] : memref<4x128x128xf32, #tpu.memory_space<vmem>> -> memref<1x128x128xf32, #tpu.memory_space<vmem>>
    %dma_start3A_589 = tpu.memref_squeeze %dma_start3A_588 : memref<1x128x128xf32, #tpu.memory_space<vmem>> -> memref<128x128xf32, #tpu.memory_space<vmem>>
    %dma_start3A_590 = arith.constant 0 : i32
    %dma_start3A_591 = tpu.memref_slice %arg4[%add3A_584, %dma_start3A_590] : memref<819200x128xf32, #tpu.memory_space<hbm>> -> memref<128x128xf32, #tpu.memory_space<hbm>>
    %dma_start3A_592 = arith.constant 0 : i32
    %dma_start3A_593 = tpu.memref_slice %arg4[%add3A_584, %dma_start3A_592] : memref<819200x128xf32, #tpu.memory_space<hbm>> -> memref<128x128xf32, #tpu.memory_space<hbm>>
    %dma_start3A_594 = arith.constant 0 : i32
    %dma_start3A_595 = arith.constant 0 : i32
    %dma_start3A_596 = tpu.memref_slice %arg6[%dma_start3A_585, %dma_start3A_594, %dma_start3A_595] : memref<4x128x128xf32, #tpu.memory_space<vmem>> -> memref<1x128x128xf32, #tpu.memory_space<vmem>>
    %dma_start3A_597 = tpu.memref_squeeze %dma_start3A_596 : memref<1x128x128xf32, #tpu.memory_space<vmem>> -> memref<128x128xf32, #tpu.memory_space<vmem>>
    tpu.enqueue_dma source(%dma_start3A_597 : memref<128x128xf32, #tpu.memory_space<vmem>>) target(%dma_start3A_593 : memref<128x128xf32, #tpu.memory_space<hbm>>) target_semaphore(%arg8 : memref<!tpu.dma_semaphore, #tpu.memory_space<semaphore_mem>>)
    %dma_wait3A_598 = arith.constant 2 : i32
    %dma_wait3A_599 = arith.constant 0 : i32
    %dma_wait3A_600 = arith.constant 0 : i32
    %dma_wait3A_601 = tpu.memref_slice %arg6[%dma_wait3A_598, %dma_wait3A_599, %dma_wait3A_600] : memref<4x128x128xf32, #tpu.memory_space<vmem>> -> memref<1x128x128xf32, #tpu.memory_space<vmem>>
    %dma_wait3A_602 = tpu.memref_squeeze %dma_wait3A_601 : memref<1x128x128xf32, #tpu.memory_space<vmem>> -> memref<128x128xf32, #tpu.memory_space<vmem>>
    %dma_wait3A_603 = arith.constant 0 : i32
    %dma_wait3A_604 = tpu.memref_slice %arg4[%mul3A_2, %dma_wait3A_603] : memref<819200x128xf32, #tpu.memory_space<hbm>> -> memref<128x128xf32, #tpu.memory_space<hbm>>
    %dma_wait3A_605 = arith.constant 0 : i32
    %dma_wait3A_606 = tpu.memref_slice %arg4[%mul3A_2, %dma_wait3A_605] : memref<819200x128xf32, #tpu.memory_space<hbm>> -> memref<128x128xf32, #tpu.memory_space<hbm>>
    %dma_wait3A_607 = arith.constant 0 : i32
    %dma_wait3A_608 = arith.constant 0 : i32
    %dma_wait3A_609 = tpu.memref_slice %arg6[%dma_wait3A_598, %dma_wait3A_607, %dma_wait3A_608] : memref<4x128x128xf32, #tpu.memory_space<vmem>> -> memref<1x128x128xf32, #tpu.memory_space<vmem>>
    %dma_wait3A_610 = tpu.memref_squeeze %dma_wait3A_609 : memref<1x128x128xf32, #tpu.memory_space<vmem>> -> memref<128x128xf32, #tpu.memory_space<vmem>>
    tpu.wait_dma2 semaphore(%arg8 : memref<!tpu.dma_semaphore, #tpu.memory_space<semaphore_mem>>) src(%dma_wait3A_610 : memref<128x128xf32, #tpu.memory_space<vmem>>) dst(%dma_wait3A_606 : memref<128x128xf32, #tpu.memory_space<hbm>>)
    %dma_wait3A_611 = arith.constant 3 : i32
    %dma_wait3A_612 = arith.constant 0 : i32
    %dma_wait3A_613 = arith.constant 0 : i32
    %dma_wait3A_614 = tpu.memref_slice %arg6[%dma_wait3A_611, %dma_wait3A_612, %dma_wait3A_613] : memref<4x128x128xf32, #tpu.memory_space<vmem>> -> memref<1x128x128xf32, #tpu.memory_space<vmem>>
    %dma_wait3A_615 = tpu.memref_squeeze %dma_wait3A_614 : memref<1x128x128xf32, #tpu.memory_space<vmem>> -> memref<128x128xf32, #tpu.memory_space<vmem>>
    %dma_wait3A_616 = arith.constant 0 : i32
    %dma_wait3A_617 = tpu.memref_slice %arg4[%mul3A_2, %dma_wait3A_616] : memref<819200x128xf32, #tpu.memory_space<hbm>> -> memref<128x128xf32, #tpu.memory_space<hbm>>
    %dma_wait3A_618 = arith.constant 0 : i32
    %dma_wait3A_619 = tpu.memref_slice %arg4[%mul3A_2, %dma_wait3A_618] : memref<819200x128xf32, #tpu.memory_space<hbm>> -> memref<128x128xf32, #tpu.memory_space<hbm>>
    %dma_wait3A_620 = arith.constant 0 : i32
    %dma_wait3A_621 = arith.constant 0 : i32
    %dma_wait3A_622 = tpu.memref_slice %arg6[%dma_wait3A_611, %dma_wait3A_620, %dma_wait3A_621] : memref<4x128x128xf32, #tpu.memory_space<vmem>> -> memref<1x128x128xf32, #tpu.memory_space<vmem>>
    %dma_wait3A_623 = tpu.memref_squeeze %dma_wait3A_622 : memref<1x128x128xf32, #tpu.memory_space<vmem>> -> memref<128x128xf32, #tpu.memory_space<vmem>>
    tpu.wait_dma2 semaphore(%arg8 : memref<!tpu.dma_semaphore, #tpu.memory_space<semaphore_mem>>) src(%dma_wait3A_623 : memref<128x128xf32, #tpu.memory_space<vmem>>) dst(%dma_wait3A_619 : memref<128x128xf32, #tpu.memory_space<hbm>>)
    return
  }
}

</mosaic_0001>

<sc_bundles>
// kernel: kernel.3.cloned.1.call-start
scs
__scs_entry_jumppad:
0x0: {  	(pc) =	sbr.rel $0x88, $3  }
0x1: {  	(tag) =	ssettag $0x0;
	lr =	simm.s32 $0x1  }
0x2: {  	[smem:$0x3F9F] =	sst lr;
	_ =	strace $0xD0000000  }
0x3: {  	_ = 	snop  }
0x4: {  	_ = 	snop  }
0x5: {  	_ = 	snop  }
0x6: {  	_ = 	snop  }
0x7: {  	_ = 	snop  }
__scs_overlays_trampoline_lowered:
0x8: {  	[smem:$0x3FAE] =	sst s0  }
0x9: {  	[smem:$0x3FAF] =	sst s1  }
0xa: {  	[smem:$0x3FB0] =	sst s2  }
0xb: {  	[smem:$0x3FB1] =	sst s3  }
0xc: {  	[smem:$0x3FB2] =	sst s4  }
0xd: {  	[smem:$0x3FB3] =	sst s5  }
0xe: {  	[smem:$0x3FB4] =	sst s6  }
0xf: {  	[smem:$0x3FB5] =	sst s7  }
0x10: {  	[smem:$0x3FB6] =	sst s8  }
0x11: {  	[smem:$0x3FB7] =	sst s9;
	s0 =	simm.s32 @!p0 $0x0  }
0x12: {  	s1 =	sld [smem:$0x3F9D];
	s0 =	simm.s32 @p0 $0x1  }
0x13: {  	[smem:$0x3FB8] =	sst s0;
	s0 =	simm.s32 @!p1 $0x0  }
0x14: {  	s2 =	sld [smem:$0x3F9C];
	s0 =	simm.s32 @p1 $0x1  }
0x15: {  	[smem:$0x3FB9] =	sst s0;
	s0 =	simm.s32 @!p2 $0x0  }
0x16: {  	s3 =	sld [smem:$0x3FDB];
	s0 =	simm.s32 @p2 $0x1  }
0x17: {  	s4 =	simm.s32 $0x1BF5;
	[smem:$0x3FBB] =	sst s0  }
0x18: {  	s0 =	sld [smem:$0x3F9E];
	_ =	swait.ge [sflag:s4], $0x0  }
0x19: {  	s7 =	sld [smem:$0x3F9F]  }
0x1a: {  	s8 =	sadd.s32 $0xFFFFE003, lr  }
0x1b: {  	s9 =	sadd.s32 $0xFFFFFEF7, lr;
	s5 =	simm.s32 $0xFFFFFFFF;
	p2 =	slt.u32 s8, $0xFFFFF086  }
0x1c: {  	p1 =	slt.u32 s9, $0xF7A;
	s5 =	simm.s32 @!p2 $0x0  }
0x1d: {  	s5 =	simm.s32 @p1 $0x1;
	p0 =	seq.s32 s7, s2  }
0x1e: {  	s7 =	smul.u32 @!p0 $0xF7A, s2;
	p2 =	seq.s32 @!p0 s5, $0x0  }
0x1f: {  	s9 =	smul.u32 $0xF7A, s1;
	s8 =	simm.s32 @!p0 $0x1BF5;
	p2 =	por !p2, p0  }
0x20: {  	[sflag:s8] =	ssyncset.s32 @!p0 $0xFFFFF086;
	s6 =	sadd.s32 @!p0 s3, s7;
	s7 =	simm.s32 @!p0 $0x108  }
0x21: {  	s3 =	sadd.s32 s3, s9;
	s6 =	sadd.s32 @!p0 $0x88, s6;
	s7 =	simm.s32 @p2 $0x1082  }
0x22: {  	[simem:s7], [sflag:s8] =	dma.local @!p0 [hbm:s6], $0xF7A  }
0x23: {  	s9 =	sor.u32 $0xD0000000, s2;
	s6 =	simm.s32 $0x108;
	_ =	swait.ge @!p0 [sflag:s8], $0x0  }
0x24: {  	s3 =	sadd.s32 $0x88, s3;
	s6 =	simm.s32 @!p1 $0x1082;
	[sflag:s4] =	ssyncset.s32 $0xFFFFF086  }
0x25: {  	[simem:s6], [sflag:s4] =	dma.local [hbm:s3], $0xF7A  }
0x26: {  	[smem:$0x3F9F] =	sst s1;
	(tag) =	ssettag s2;
	_ =	strace s9  }
0x27: {  	s1 =	sld [smem:$0x3FAF]  }
0x28: {  	s2 =	sld [smem:$0x3FB0]  }
0x29: {  	s4 =	sld [smem:$0x3FB2]  }
0x2a: {  	p0 =	seq.s32 s5, $0x0;
	s5 =	sld [smem:$0x3FB3]  }
0x2b: {  	s6 =	sld [smem:$0x3FB4]  }
0x2c: {  	s7 =	sld [smem:$0x3FB5]  }
0x2d: {  	s3 =	simm.s32 $0x108;
	s8 =	sld [smem:$0x3FB6]  }
0x2e: {  	s3 =	simm.s32 @!p0 $0x1082;
	s9 =	sld [smem:$0x3FB7]  }
0x2f: {  	lr =	sadd.s32 s0, s3;
	s0 =	sld [smem:$0x3FAE]  }
0x30: {  	s3 =	sld [smem:$0x3FB1]  }
0x31: {  	[smem:$0x3FBA] =	sst s10  }
0x32: {  	s10 =	sld [smem:$0x3FB8];
	_ =	sdelay $0x3  }
0x33: {  	p0 =	seq.s32 s10, $0x1;
	s10 =	sld [smem:$0x3FBA];
	_ =	sdelay $0x3  }
0x34: {  	[smem:$0x3FBA] =	sst s10  }
0x35: {  	s10 =	sld [smem:$0x3FB9];
	_ =	sdelay $0x3  }
0x36: {  	p1 =	seq.s32 s10, $0x1;
	s10 =	sld [smem:$0x3FBA];
	_ =	sdelay $0x3  }
0x37: {  	[smem:$0x3FBA] =	sst s10  }
0x38: {  	s10 =	sld [smem:$0x3FBB]  }
0x39: {  	_ = 	snop;
	(pc) =	sbr.ind lr, $3  }
0x3a: {  	_ = 	snop  }
0x3b: {  	_ = 	snop  }
0x3c: {  	p2 =	seq.s32 s10, $0x1;
	s10 =	sld [smem:$0x3FBA]  }
0x3d: {  	_ =	shalt  }
0x3e: {  	_ =	shalt  }
0x3f: {  	_ =	shalt  }
0x40: {  	_ =	shalt  }
0x41: {  	_ =	shalt  }
0x42: {  	_ =	shalt  }
0x43: {  	_ =	shalt  }
0x44: {  	_ =	shalt  }
0x45: {  	_ =	shalt  }
0x46: {  	_ =	shalt  }
0x47: {  	_ =	shalt  }
0x48: {  	_ =	shalt  }
0x49: {  	_ =	shalt  }
0x4a: {  	_ =	shalt  }
0x4b: {  	_ =	shalt  }
0x4c: {  	_ =	shalt  }
0x4d: {  	_ =	shalt  }
0x4e: {  	_ =	shalt  }
0x4f: {  	_ =	shalt  }
0x50: {  	_ =	shalt  }
0x51: {  	_ =	shalt  }
0x52: {  	_ =	shalt  }
0x53: {  	_ =	shalt  }
0x54: {  	_ =	shalt  }
0x55: {  	_ =	shalt  }
0x56: {  	_ =	shalt  }
0x57: {  	_ =	shalt  }
0x58: {  	_ =	shalt  }
0x59: {  	_ =	shalt  }
0x5a: {  	_ =	shalt  }
0x5b: {  	_ =	shalt  }
0x5c: {  	_ =	shalt  }
0x5d: {  	_ =	shalt  }
0x5e: {  	_ =	shalt  }
0x5f: {  	_ =	shalt  }
0x60: {  	_ =	shalt  }
0x61: {  	_ =	shalt  }
0x62: {  	_ =	shalt  }
0x63: {  	_ =	shalt  }
0x64: {  	_ =	shalt  }
0x65: {  	_ =	shalt  }
0x66: {  	_ =	shalt  }
0x67: {  	_ =	shalt  }
0x68: {  	_ =	shalt  }
0x69: {  	_ =	shalt  }
0x6a: {  	_ =	shalt  }
0x6b: {  	_ =	shalt  }
0x6c: {  	_ =	shalt  }
0x6d: {  	_ =	shalt  }
0x6e: {  	_ =	shalt  }
0x6f: {  	_ =	shalt  }
0x70: {  	_ =	shalt  }
0x71: {  	_ =	shalt  }
0x72: {  	_ =	shalt  }
0x73: {  	_ =	shalt  }
0x74: {  	_ =	shalt  }
0x75: {  	_ =	shalt  }
0x76: {  	_ =	shalt  }
0x77: {  	_ =	shalt  }
0x78: {  	_ =	shalt  }
0x79: {  	_ =	shalt  }
0x7a: {  	_ =	shalt  }
0x7b: {  	_ =	shalt  }
0x7c: {  	_ =	shalt  }
0x7d: {  	_ =	shalt  }
0x7e: {  	_ =	shalt  }
0x7f: {  	_ =	shalt  }
0x80: {  	_ =	shalt  }
0x81: {  	_ =	shalt  }
0x82: {  	_ =	shalt  }
0x83: {  	_ =	shalt  }
0x84: {  	_ =	shalt  }
0x85: {  	_ =	shalt  }
0x86: {  	_ =	shalt  }
0x87: {  	_ =	shalt  }
.Lfunc_end0:
.L_simem_size_0:
called_computation.1_lowered:
.L_overlay_start_0:
0x88: {  	s2 =	sld [smem:$0x3FD9]  }
0x89: {  	s3 =	sld [smem:$0x3FFE];
	_ =	sdelay $0x1  }
0x8a: {  	s1 =	srdreg.scid  }
0x8b: {  	s0 =	sand.u32 $0x1, s1  }
0x8c: {  	s17 =	sshll.u32 s0, $0xA;
	s2 =	sadd.s32 s3, s2  }
0x8d: {  	s2 =	sadd.s32 s2, s17  }
0x8e: {  	[smem:$0x3FC6] =	sst s2  }
0x8f: {  	_ = 	snop  }
0x90: {  	s2 =	sld [smem:$0x3FD0];
	(tm) =	ssettm $0x1  }
0x91: {  	s18 =	sld [smem:$0x3FFB];
	_ =	sdelay $0x3  }
0x92: {  	_ =	strace s18  }
0x93: {  	s3 =	sld [smem:$0x3FFC];
	_ =	sdelay $0x3  }
0x94: {  	_ =	strace s3  }
0x95: {  	s3 =	sld [smem:$0x3FFD];
	_ =	sdelay $0x3  }
0x96: {  	_ =	strace s3  }
0x97: {  	_ =	strace $0x8FFFFFFF  }
0x98: {  	s19 =	sld [smem:$0x3FDB];
	_ =	sdelay $0x1  }
0x99: {  	s4 =	simm.s32 $_scs_section_size  }
0x9a: {  	s5 =	simm.s32 $_size__tile_overlayer_lowered;
	s6 =	simm.s32 $_tile_overlayer_lowered  }
0x9b: {  	s22 =	simm.s32 $0x1BFF;
	s21 =	sshll.u32 s6, $0x1;
	s3 =	sadd.s32 s4, s19  }
0x9c: {  	s7 =	simm.s32 $0x0;
	s20 =	sshll.u32 s5, $0x1;
	s5 =	sadd.s32 s21, s3  }
0x9d: {  	[timem:s7], [sflag:s22] =	dma.local [hbm:s5], s20  }
0x9e: {  	_ =	swait.ge [sflag:s22], s20  }
0x9f: {  	s4 =	ssub.s32 $0x0, s20;
	[sflag:s22] =	ssyncset.done $0x0  }
0xa0: {  	[sflag:s22] =	ssyncadd.s32 s4;
	_ =	sdelay $0x1  }
0xa1: {  	s23 =	simm.s32 $0x1B8B  }
0xa2: {  	_ =	swait.ge [sflag:s23], $0x1  }
0xa3: {  	[sflag:s23] =	ssyncset.done $0x0  }
0xa4: {  	s25 =	simm.s32 $0x1B8E;
	s24 =	sld [smem:$0x3FFE];
	[sflag:s23] =	ssyncadd.s32 $0xFFFFFFFF  }
0xa5: {  	s26 =	simm.s32 $execute0_lowered;
	[smem:$0x3FD2] =	sst s25  }
0xa6: {  	s5 =	sshll.u32 s26, $0x1;
	_ =	strace $0x80000046;
	[dreg:$0x1] =	wrdreg $0xFFFFFFFF  }
0xa7: {  	s28 =	simm.s32 $_size_execute0_lowered;
	s3 =	sadd.s32 s3, s5;
	[dreg:$0x0] =	wrdreg $0x0  }
0xa8: {  	s5 =	sshll.u32 s28, $0x1;
	[dreg:$0x2] =	wrdreg s3  }
0xa9: {  	[dreg:$0x3] =	wrdreg s5  }
0xaa: {  	[dreg:$0x4] =	wrdreg $0xC0  }
0xab: {  	_ =	task [dreg:s7], $0x5FFFF  }
0xac: {  	[dreg:$0x1] =	wrdreg $0xFFFFFFFF  }
0xad: {  	[dreg:$0x0] =	wrdreg $0x60  }
0xae: {  	[dreg:$0x2] =	wrdreg s2  }
0xaf: {  	[dreg:$0x3] =	wrdreg s24  }
0xb0: {  	[dreg:$0x4] =	wrdreg $0x9  }
0xb1: {  	_ =	task.clear_ibuf [dreg:s7], $0x5FFFF;
	_ =	strace $0x90000046  }
0xb2: {  	s29 =	simm.s32 $0x9;
	_ =	strace $0x80000048  }
0xb3: {  	_ =	swait.ge [sflag:s29], $0x1  }
0xb4: {  	[sflag:s29] =	ssyncadd.s32 $0xFFFFFFFF  }
0xb5: {  	_ =	strace $0x90000048  }
0xb6: {  	_ =	sfence  }
0xb7: {  	s30 =	sld [smem:$0x0];
	_ =	sdelay $0x2  }
0xb8: {  	s31 =	sshll.u32 s1, $0xD;
	s1 =	sshrl.u32 s1, $0x2  }
0xb9: {  	s3 =	sand.u32 $0x4000, s31;
	s1 =	sadd.s32 s1, s30  }
0xba: {  	s0 =	sor.u32 s3, s0;
	s1 =	sshll.u32 s1, $0x11  }
0xbb: {  	s0 =	sor.u32 s1, s0  }
0xbc: {  	s0 =	sadd.s32 $0x8F2B, s0  }
0xbd: {  	[sflag:s0] =	ssyncadd.remote.s32 $0x1  }
0xbe: {  	_ =	sfence.sel $0xFFFF  }
0xbf: {  	[dreg:$0x0] =	wrdreg $0xFFFFFFFF;
	(pc) =	sbr.abs _section_cstart, $3  }
0xc0: {  	[dreg:$0x1] =	wrdreg $0xFFFFFFFF  }
0xc1: {  	_ =	task.clear_ibuf [dreg:s7], $0x2FFFF;
	_ =	strace $0x9FFFFFFF  }
0xc2: {  	(tm) =	ssettm $0x7FFFFFFF  }
0xc3: {  	_ =	shalt  }
tec
execute0_lowered:
.L_overlay_start_1:
0x0: {  	(tag) =	ssettag $0x1  }
0x1: {  	s0 =	rddreg [dreg:$0x0]  }
0x2: {  	s1 =	rddreg [dreg:$0x1]  }
0x3: {  	s3 =	srdreg.scid;
	s10 =	stileid.u32;
	s2 =	simm.s32 $0x0  }
0x4: {  	s31 =	simm.s32 $0x6400;
	s20 =	simm.s32 $0x6C00;
	s18 =	simm.s32 $0x7C00  }
0x5: {  	s19 =	simm.s32 $0xA400;
	s29 =	simm.s32 $0xB400;
	s30 =	simm.s32 $0xBC00  }
0x6: {  	s28 =	simm.s32 $0xE400;
	s12 =	simm.s32 $0x10400;
	s13 =	simm.s32 $0x10C00  }
0x7: {  	s14 =	simm.s32 $0x11400;
	s15 =	simm.s32 $0x11C00;
	s11 =	simm.s32 $0x12C00  }
0x8: {  	s16 =	simm.s32 $0x2;
	s17 =	simm.s32 $0x0;
	s4 =	sand.u32 $0x1, s3  }
0x9: {  	s21 =	sshll.u32 s10, $0x1;
	[smem:$0x7FF] =	sst s2;
	s22 =	smul.u32 $0xC8000, s10  }
0xa: {  	s5 =	sor.u32 s4, s21;
	s7 =	ssub.s32 $0x2, s4;
	s4 =	smul.u32 $0x64000, s4  }
0xb: {  	s3 =	sadd.s32 $0xF42E00, s1;
	s1 =	sadd.s32 $0xA00, s1;
	s6 =	smul.u32 $0x6400, s5  }
0xc: {  	s10 =	simm.s32 $0xFC00;
	_ =	strace $0x80000047;
	s8 =	smul.u32 $0x64000, s5  }
0xd: {  	s21 =	simm.s32 $0x7400;
	s9 =	sshrl.u32 s7, $0x1;
	s5 =	smul.u32 $0x320000, s5  }
0xe: {  	[dreg:$0xa] =	wrdreg s17;
	s7 =	ssub.s32 s7, s9;
	s9 =	simm.s32 $0xEC00  }
0xf: {  	s6 =	sshrl.u32 s6, $0x3;
	s23 =	sshrl.u32 s5, $0x3;
	s24 =	sadd.s32 s1, s8  }
0x10: {  	s26 =	smax.u32 s7, $0x1;
	s7 =	simm.s32 $0x1;
	s8 =	simm.s32 $0x12400  }
0x11: {  	s0 =	sadd.s32 s0, s6;
	[dreg:$0x5] =	wrdreg s24;
	s5 =	sadd.s32 $0x800, s24  }
0x12: {  	[dreg:$0x9] =	wrdreg s26;
	s24 =	simm.s32 $0x9400;
	s26 =	simm.s32 $0xAC00  }
0x13: {  	s6 =	simm.s32 $0xDC00;
	[dreg:$0x4] =	wrdreg s0;
	s0 =	sadd.s32 s1, s23  }
0x14: {  	s1 =	sadd.s32 s22, s1;
	[dreg:$0x6] =	wrdreg s5;
	s25 =	sadd.s32 $0x63000, s0  }
0x15: {  	s22 =	simm.s32 $0x8400;
	s0 =	sadd.s32 $0x63800, s0;
	[dreg:$0x7] =	wrdreg s25  }
0x16: {  	s23 =	simm.s32 $0x8C00;
	s1 =	sadd.s32 s4, s1;
	[dreg:$0x8] =	wrdreg s0  }
0x17: {  	s5 =	simm.s32 $0xF400;
	s4 =	simm.s32 $0xD400;
	[dreg:$0x3] =	wrdreg s1  }
0x18: {  	vm0 =	vmmov $0xffff;
	s25 =	simm.s32 $0x9C00;
	s0 =	simm.s32 $0xC400;
	s1 =	simm.s32 $0xCC00  }
.LBB2_1:
0x19: {  	s17 =	rddreg [dreg:$0x4]  }
0x1a: {  	[tilespmem:s2], [sflag:$0x3] =	stream.linear.gather [hbm4b:s17+s2], $0x6400, $0x38;
	[tilespmem:$0x16400] =	vst v63  }
0x1b: {  	s17 =	simm.s32 $0x3  }
0x1c: {  	_ =	swait.ge [sflag:s17], $0x6400  }
0x1d: {  	[sflag:s17] =	ssyncset.done $0x0  }
0x1e: {  	[sflag:s17] =	ssyncadd.s32 $0xFFFF9C00  }
0x1f: {  	v0 =	vld [tilespmem:$0x0];
	_ =	sdelay $0x7  }
0x20: {  	[tilespmem:s31], [sflag:$0x1] =	stream.indirect_vreg.gather [hbm4b:s3+s2], $0x80, v0, vm0, $0xb8;
	[tilespmem:$0x16400] =	vst v63  }
0x21: {  	v0 =	vld [tilespmem:$0x10];
	_ =	sdelay $0x7  }
0x22: {  	[tilespmem:s20], [sflag:$0x1] =	stream.indirect_vreg.gather [hbm4b:s3+s2], $0x80, v0, vm0, $0xb8;
	[tilespmem:$0x16400] =	vst v63  }
0x23: {  	v0 =	vld [tilespmem:$0x20];
	_ =	sdelay $0x7  }
0x24: {  	[tilespmem:s21], [sflag:$0x1] =	stream.indirect_vreg.gather [hbm4b:s3+s2], $0x80, v0, vm0, $0xb8;
	[tilespmem:$0x16400] =	vst v63  }
0x25: {  	v0 =	vld [tilespmem:$0x30];
	_ =	sdelay $0x7  }
0x26: {  	[tilespmem:s18], [sflag:$0x1] =	stream.indirect_vreg.gather [hbm4b:s3+s2], $0x80, v0, vm0, $0xb8;
	[tilespmem:$0x16400] =	vst v63  }
0x27: {  	v0 =	vld [tilespmem:$0x40];
	_ =	sdelay $0x7  }
0x28: {  	[tilespmem:s22], [sflag:$0x1] =	stream.indirect_vreg.gather [hbm4b:s3+s2], $0x80, v0, vm0, $0xb8;
	[tilespmem:$0x16400] =	vst v63  }
0x29: {  	v0 =	vld [tilespmem:$0x50];
	_ =	sdelay $0x7  }
0x2a: {  	[tilespmem:s23], [sflag:$0x1] =	stream.indirect_vreg.gather [hbm4b:s3+s2], $0x80, v0, vm0, $0xb8;
	[tilespmem:$0x16400] =	vst v63  }
0x2b: {  	v0 =	vld [tilespmem:$0x60];
	_ =	sdelay $0x7  }
0x2c: {  	[tilespmem:s24], [sflag:$0x1] =	stream.indirect_vreg.gather [hbm4b:s3+s2], $0x80, v0, vm0, $0xb8;
	[tilespmem:$0x16400] =	vst v63  }
0x2d: {  	v0 =	vld [tilespmem:$0x70];
	_ =	sdelay $0x7  }
0x2e: {  	[tilespmem:s25], [sflag:$0x1] =	stream.indirect_vreg.gather [hbm4b:s3+s2], $0x80, v0, vm0, $0xb8;
	[tilespmem:$0x16400] =	vst v63  }
0x2f: {  	v0 =	vld [tilespmem:$0x80];
	_ =	sdelay $0x7  }
0x30: {  	[tilespmem:s19], [sflag:$0x1] =	stream.indirect_vreg.gather [hbm4b:s3+s2], $0x80, v0, vm0, $0xb8;
	[tilespmem:$0x16400] =	vst v63  }
0x31: {  	v0 =	vld [tilespmem:$0x90];
	_ =	sdelay $0x7  }
0x32: {  	[tilespmem:s26], [sflag:$0x1] =	stream.indirect_vreg.gather [hbm4b:s3+s2], $0x80, v0, vm0, $0xb8;
	[tilespmem:$0x16400] =	vst v63  }
0x33: {  	v0 =	vld [tilespmem:$0xA0];
	_ =	sdelay $0x7  }
0x34: {  	[tilespmem:s29], [sflag:$0x1] =	stream.indirect_vreg.gather [hbm4b:s3+s2], $0x80, v0, vm0, $0xb8;
	[tilespmem:$0x16400] =	vst v63  }
0x35: {  	v0 =	vld [tilespmem:$0xB0];
	_ =	sdelay $0x7  }
0x36: {  	[tilespmem:s30], [sflag:$0x1] =	stream.indirect_vreg.gather [hbm4b:s3+s2], $0x80, v0, vm0, $0xb8;
	[tilespmem:$0x16400] =	vst v63  }
0x37: {  	v0 =	vld [tilespmem:$0xC0];
	_ =	sdelay $0x7  }
0x38: {  	[tilespmem:s0], [sflag:$0x1] =	stream.indirect_vreg.gather [hbm4b:s3+s2], $0x80, v0, vm0, $0xb8;
	[tilespmem:$0x16400] =	vst v63  }
0x39: {  	v0 =	vld [tilespmem:$0xD0];
	_ =	sdelay $0x7  }
0x3a: {  	[tilespmem:s1], [sflag:$0x1] =	stream.indirect_vreg.gather [hbm4b:s3+s2], $0x80, v0, vm0, $0xb8;
	[tilespmem:$0x16400] =	vst v63  }
0x3b: {  	v0 =	vld [tilespmem:$0xE0];
	_ =	sdelay $0x7  }
0x3c: {  	[tilespmem:s4], [sflag:$0x1] =	stream.indirect_vreg.gather [hbm4b:s3+s2], $0x80, v0, vm0, $0xb8;
	[tilespmem:$0x16400] =	vst v63  }
0x3d: {  	v0 =	vld [tilespmem:$0xF0];
	_ =	sdelay $0x7  }
0x3e: {  	[tilespmem:s6], [sflag:$0x1] =	stream.indirect_vreg.gather [hbm4b:s3+s2], $0x80, v0, vm0, $0xb8;
	[tilespmem:$0x16400] =	vst v63  }
0x3f: {  	v0 =	vld [tilespmem:$0x100];
	_ =	sdelay $0x7  }
0x40: {  	[tilespmem:s28], [sflag:$0x1] =	stream.indirect_vreg.gather [hbm4b:s3+s2], $0x80, v0, vm0, $0xb8;
	[tilespmem:$0x16400] =	vst v63  }
0x41: {  	v0 =	vld [tilespmem:$0x110];
	_ =	sdelay $0x7  }
0x42: {  	[tilespmem:s9], [sflag:$0x1] =	stream.indirect_vreg.gather [hbm4b:s3+s2], $0x80, v0, vm0, $0xb8;
	[tilespmem:$0x16400] =	vst v63  }
0x43: {  	v0 =	vld [tilespmem:$0x120];
	_ =	sdelay $0x7  }
0x44: {  	[tilespmem:s5], [sflag:$0x1] =	stream.indirect_vreg.gather [hbm4b:s3+s2], $0x80, v0, vm0, $0xb8;
	[tilespmem:$0x16400] =	vst v63  }
0x45: {  	v0 =	vld [tilespmem:$0x130];
	_ =	sdelay $0x7  }
0x46: {  	[tilespmem:s10], [sflag:$0x1] =	stream.indirect_vreg.gather [hbm4b:s3+s2], $0x80, v0, vm0, $0xb8;
	[tilespmem:$0x16400] =	vst v63  }
0x47: {  	v0 =	vld [tilespmem:$0x140];
	_ =	sdelay $0x7  }
0x48: {  	[tilespmem:s12], [sflag:$0x1] =	stream.indirect_vreg.gather [hbm4b:s3+s2], $0x80, v0, vm0, $0xb8;
	[tilespmem:$0x16400] =	vst v63  }
0x49: {  	v0 =	vld [tilespmem:$0x150];
	_ =	sdelay $0x7  }
0x4a: {  	[tilespmem:s13], [sflag:$0x1] =	stream.indirect_vreg.gather [hbm4b:s3+s2], $0x80, v0, vm0, $0xb8;
	[tilespmem:$0x16400] =	vst v63  }
0x4b: {  	v0 =	vld [tilespmem:$0x160];
	_ =	sdelay $0x7  }
0x4c: {  	[tilespmem:s14], [sflag:$0x1] =	stream.indirect_vreg.gather [hbm4b:s3+s2], $0x80, v0, vm0, $0xb8;
	[tilespmem:$0x16400] =	vst v63  }
0x4d: {  	v0 =	vld [tilespmem:$0x170];
	_ =	sdelay $0x7  }
0x4e: {  	[tilespmem:s15], [sflag:$0x1] =	stream.indirect_vreg.gather [hbm4b:s3+s2], $0x80, v0, vm0, $0xb8;
	[tilespmem:$0x16400] =	vst v63  }
0x4f: {  	_ =	swait.ge [sflag:s7], $0x4000  }
0x50: {  	[sflag:s7] =	ssyncset.done $0x0  }
0x51: {  	s15 =	rddreg [dreg:$0x5];
	[sflag:s7] =	ssyncadd.s32 $0xFFFFC000  }
0x52: {  	[hbm4b:s15+s2] =	stream.linear.scatter [tilespmem:s31], [sflag:$0x2], $0x4000, $0x38;
	[tilespmem:$0x16400] =	vst v63  }
0x53: {  	v63 =	vld [tilespmem:$0x180];
	_ =	sdelay $0x7  }
0x54: {  	[tilespmem:s8], [sflag:$0x1] =	stream.indirect_vreg.gather [hbm4b:s3+s2], $0x80, v63, vm0, $0xb8;
	[tilespmem:$0x16400] =	vst v63  }
0x55: {  	v0 =	vld [tilespmem:$0x190];
	_ =	sdelay $0x7  }
0x56: {  	[tilespmem:s11], [sflag:$0x1] =	stream.indirect_vreg.gather [hbm4b:s3+s2], $0x80, v0, vm0, $0xb8;
	[tilespmem:$0x16400] =	vst v63  }
0x57: {  	v0 =	vld [tilespmem:$0x1A0];
	_ =	sdelay $0x6  }
0x58: {  	s17 =	simm.s32 $0x13400  }
0x59: {  	[tilespmem:s17], [sflag:$0x1] =	stream.indirect_vreg.gather [hbm4b:s3+s2], $0x80, v0, vm0, $0xb8;
	[tilespmem:$0x16400] =	vst v63  }
0x5a: {  	v0 =	vld [tilespmem:$0x1B0];
	_ =	sdelay $0x6  }
0x5b: {  	s18 =	simm.s32 $0x13C00  }
0x5c: {  	[tilespmem:s18], [sflag:$0x1] =	stream.indirect_vreg.gather [hbm4b:s3+s2], $0x80, v0, vm0, $0xb8;
	[tilespmem:$0x16400] =	vst v63  }
0x5d: {  	v0 =	vld [tilespmem:$0x1C0];
	_ =	sdelay $0x6  }
0x5e: {  	s22 =	simm.s32 $0x14400  }
0x5f: {  	[tilespmem:s22], [sflag:$0x1] =	stream.indirect_vreg.gather [hbm4b:s3+s2], $0x80, v0, vm0, $0xb8;
	[tilespmem:$0x16400] =	vst v63  }
0x60: {  	v0 =	vld [tilespmem:$0x1D0];
	_ =	sdelay $0x6  }
0x61: {  	s23 =	simm.s32 $0x14C00  }
0x62: {  	[tilespmem:s23], [sflag:$0x1] =	stream.indirect_vreg.gather [hbm4b:s3+s2], $0x80, v0, vm0, $0xb8;
	[tilespmem:$0x16400] =	vst v63  }
0x63: {  	v0 =	vld [tilespmem:$0x1E0];
	_ =	sdelay $0x6  }
0x64: {  	s24 =	simm.s32 $0x15400  }
0x65: {  	[tilespmem:s24], [sflag:$0x1] =	stream.indirect_vreg.gather [hbm4b:s3+s2], $0x80, v0, vm0, $0xb8;
	[tilespmem:$0x16400] =	vst v63  }
0x66: {  	v0 =	vld [tilespmem:$0x1F0];
	_ =	sdelay $0x2  }
0x67: {  	s25 =	simm.s32 $0x15C00;
	s29 =	simm.s32 $0xAC00  }
0x68: {  	s30 =	simm.s32 $0xB400;
	s0 =	simm.s32 $0xC400;
	s1 =	simm.s32 $0xCC00  }
0x69: {  	s4 =	simm.s32 $0xD400;
	s6 =	simm.s32 $0xDC00;
	s9 =	simm.s32 $0xEC00  }
0x6a: {  	s5 =	simm.s32 $0xF400;
	s10 =	simm.s32 $0xFC00;
	s12 =	simm.s32 $0x10400  }
0x6b: {  	s13 =	simm.s32 $0x10C00;
	s14 =	simm.s32 $0x11400;
	s15 =	simm.s32 $0x11C00  }
0x6c: {  	[tilespmem:s25], [sflag:$0x1] =	stream.indirect_vreg.gather [hbm4b:s3+s2], $0x80, v0, vm0, $0xb8;
	[tilespmem:$0x16400] =	vst v63  }
0x6d: {  	s31 =	simm.s32 $0xBC00;
	s11 =	simm.s32 $0x12C00;
	_ =	swait.ge [sflag:s7], $0x4000  }
0x6e: {  	s17 =	simm.s32 $0x3F0;
	s18 =	simm.s32 $0x0;
	[sflag:s7] =	ssyncset.done $0x0  }
0x6f: {  	s22 =	simm.s32 $0x7C00;
	s26 =	rddreg [dreg:$0x6];
	[sflag:s7] =	ssyncadd.s32 $0xFFFFC000  }
0x70: {  	[hbm4b:s26+s2] =	stream.linear.scatter [tilespmem:s19], [sflag:$0x2], $0x4000, $0x38;
	[tilespmem:$0x16400] =	vst v63  }
0x71: {  	s23 =	simm.s32 $0x6400;
	s24 =	simm.s32 $0x8C00;
	s26 =	simm.s32 $0x9C00  }
.LBB2_2:
0x72: {  	_ =	swait.ge [sflag:s16], $0x4000  }
0x73: {  	[sflag:s16] =	ssyncset.done $0x0  }
0x74: {  	[sflag:s16] =	ssyncadd.s32 $0xFFFFC000  }
0x75: {  	v0 =	vld [tilespmem:s17+$0xFFFFFE10];
	_ =	sdelay $0x7  }
0x76: {  	[tilespmem:s23], [sflag:$0x1] =	stream.indirect_vreg.gather [hbm4b:s3+s2], $0x80, v0, vm0, $0xb8;
	[tilespmem:$0x16400] =	vst v63  }
0x77: {  	v0 =	vld [tilespmem:s17+$0xFFFFFE20];
	_ =	sdelay $0x7  }
0x78: {  	[tilespmem:s20], [sflag:$0x1] =	stream.indirect_vreg.gather [hbm4b:s3+s2], $0x80, v0, vm0, $0xb8;
	[tilespmem:$0x16400] =	vst v63  }
0x79: {  	v0 =	vld [tilespmem:s17+$0xFFFFFE30];
	_ =	sdelay $0x7  }
0x7a: {  	[tilespmem:s21], [sflag:$0x1] =	stream.indirect_vreg.gather [hbm4b:s3+s2], $0x80, v0, vm0, $0xb8;
	[tilespmem:$0x16400] =	vst v63  }
0x7b: {  	v0 =	vld [tilespmem:s17+$0xFFFFFE40];
	_ =	sdelay $0x7  }
0x7c: {  	[tilespmem:s22], [sflag:$0x1] =	stream.indirect_vreg.gather [hbm4b:s3+s2], $0x80, v0, vm0, $0xb8;
	[tilespmem:$0x16400] =	vst v63  }
0x7d: {  	v0 =	vld [tilespmem:s17+$0xFFFFFE50];
	_ =	sdelay $0x6  }
0x7e: {  	s21 =	simm.s32 $0x8400  }
0x7f: {  	[tilespmem:s21], [sflag:$0x1] =	stream.indirect_vreg.gather [hbm4b:s3+s2], $0x80, v0, vm0, $0xb8;
	[tilespmem:$0x16400] =	vst v63  }
0x80: {  	v0 =	vld [tilespmem:s17+$0xFFFFFE60];
	_ =	sdelay $0x7  }
0x81: {  	[tilespmem:s24], [sflag:$0x1] =	stream.indirect_vreg.gather [hbm4b:s3+s2], $0x80, v0, vm0, $0xb8;
	[tilespmem:$0x16400] =	vst v63  }
0x82: {  	v0 =	vld [tilespmem:s17+$0xFFFFFE70];
	_ =	sdelay $0x6  }
0x83: {  	s25 =	simm.s32 $0x9400  }
0x84: {  	[tilespmem:s25], [sflag:$0x1] =	stream.indirect_vreg.gather [hbm4b:s3+s2], $0x80, v0, vm0, $0xb8;
	[tilespmem:$0x16400] =	vst v63  }
0x85: {  	v0 =	vld [tilespmem:s17+$0xFFFFFE80];
	_ =	sdelay $0x7  }
0x86: {  	[tilespmem:s26], [sflag:$0x1] =	stream.indirect_vreg.gather [hbm4b:s3+s2], $0x80, v0, vm0, $0xb8;
	[tilespmem:$0x16400] =	vst v63  }
0x87: {  	_ =	swait.ge [sflag:s7], $0x4000  }
0x88: {  	s21 =	rddreg [dreg:$0x3]  }
0x89: {  	[sflag:s7] =	ssyncset.done $0x0;
	s20 =	sadd.s32 s18, s21  }
0x8a: {  	[sflag:s7] =	ssyncadd.s32 $0xFFFFC000;
	s25 =	sadd.s32 $0x1000, s20  }
0x8b: {  	[hbm4b:s25+s2] =	stream.linear.scatter [tilespmem:s28], [sflag:$0x2], $0x4000, $0x38;
	[tilespmem:$0x16400] =	vst v63  }
0x8c: {  	_ =	swait.ge [sflag:s16], $0x4000  }
0x8d: {  	[sflag:s16] =	ssyncset.done $0x0  }
0x8e: {  	[sflag:s16] =	ssyncadd.s32 $0xFFFFC000  }
0x8f: {  	v61 =	vld [tilespmem:s17+$0xFFFFFE90];
	_ =	sdelay $0x7  }
0x90: {  	[tilespmem:s19], [sflag:$0x1] =	stream.indirect_vreg.gather [hbm4b:s3+s2], $0x80, v61, vm0, $0xb8;
	[tilespmem:$0x16400] =	vst v63  }
0x91: {  	v0 =	vld [tilespmem:s17+$0xFFFFFEA0];
	_ =	sdelay $0x7  }
0x92: {  	[tilespmem:s29], [sflag:$0x1] =	stream.indirect_vreg.gather [hbm4b:s3+s2], $0x80, v0, vm0, $0xb8;
	[tilespmem:$0x16400] =	vst v63  }
0x93: {  	v0 =	vld [tilespmem:s17+$0xFFFFFEB0];
	_ =	sdelay $0x7  }
0x94: {  	[tilespmem:s30], [sflag:$0x1] =	stream.indirect_vreg.gather [hbm4b:s3+s2], $0x80, v0, vm0, $0xb8;
	[tilespmem:$0x16400] =	vst v63  }
0x95: {  	v0 =	vld [tilespmem:s17+$0xFFFFFEC0];
	_ =	sdelay $0x7  }
0x96: {  	[tilespmem:s31], [sflag:$0x1] =	stream.indirect_vreg.gather [hbm4b:s3+s2], $0x80, v0, vm0, $0xb8;
	[tilespmem:$0x16400] =	vst v63  }
0x97: {  	v0 =	vld [tilespmem:s17+$0xFFFFFED0];
	_ =	sdelay $0x7  }
0x98: {  	[tilespmem:s0], [sflag:$0x1] =	stream.indirect_vreg.gather [hbm4b:s3+s2], $0x80, v0, vm0, $0xb8;
	[tilespmem:$0x16400] =	vst v63  }
0x99: {  	v0 =	vld [tilespmem:s17+$0xFFFFFEE0];
	_ =	sdelay $0x7  }
0x9a: {  	[tilespmem:s1], [sflag:$0x1] =	stream.indirect_vreg.gather [hbm4b:s3+s2], $0x80, v0, vm0, $0xb8;
	[tilespmem:$0x16400] =	vst v63  }
0x9b: {  	v0 =	vld [tilespmem:s17+$0xFFFFFEF0];
	_ =	sdelay $0x7  }
0x9c: {  	[tilespmem:s4], [sflag:$0x1] =	stream.indirect_vreg.gather [hbm4b:s3+s2], $0x80, v0, vm0, $0xb8;
	[tilespmem:$0x16400] =	vst v63  }
0x9d: {  	v0 =	vld [tilespmem:s17+$0xFFFFFF00];
	_ =	sdelay $0x7  }
0x9e: {  	[tilespmem:s6], [sflag:$0x1] =	stream.indirect_vreg.gather [hbm4b:s3+s2], $0x80, v0, vm0, $0xb8;
	[tilespmem:$0x16400] =	vst v63  }
0x9f: {  	_ =	swait.ge [sflag:s7], $0x4000  }
0xa0: {  	[sflag:s7] =	ssyncset.done $0x0  }
0xa1: {  	s25 =	sadd.s32 $0x1800, s20;
	[sflag:s7] =	ssyncadd.s32 $0xFFFFC000  }
0xa2: {  	[hbm4b:s25+s2] =	stream.linear.scatter [tilespmem:s8], [sflag:$0x2], $0x4000, $0x38;
	[tilespmem:$0x16400] =	vst v63  }
0xa3: {  	_ =	swait.ge [sflag:s16], $0x4000  }
0xa4: {  	[sflag:s16] =	ssyncset.done $0x0  }
0xa5: {  	[sflag:s16] =	ssyncadd.s32 $0xFFFFC000  }
0xa6: {  	v62 =	vld [tilespmem:s17+$0xFFFFFF10];
	_ =	sdelay $0x7  }
0xa7: {  	[tilespmem:s28], [sflag:$0x1] =	stream.indirect_vreg.gather [hbm4b:s3+s2], $0x80, v62, vm0, $0xb8;
	[tilespmem:$0x16400] =	vst v63  }
0xa8: {  	v0 =	vld [tilespmem:s17+$0xFFFFFF20];
	_ =	sdelay $0x7  }
0xa9: {  	[tilespmem:s9], [sflag:$0x1] =	stream.indirect_vreg.gather [hbm4b:s3+s2], $0x80, v0, vm0, $0xb8;
	[tilespmem:$0x16400] =	vst v63  }
0xaa: {  	v0 =	vld [tilespmem:s17+$0xFFFFFF30];
	_ =	sdelay $0x7  }
0xab: {  	[tilespmem:s5], [sflag:$0x1] =	stream.indirect_vreg.gather [hbm4b:s3+s2], $0x80, v0, vm0, $0xb8;
	[tilespmem:$0x16400] =	vst v63  }
0xac: {  	v0 =	vld [tilespmem:s17+$0xFFFFFF40];
	_ =	sdelay $0x7  }
0xad: {  	[tilespmem:s10], [sflag:$0x1] =	stream.indirect_vreg.gather [hbm4b:s3+s2], $0x80, v0, vm0, $0xb8;
	[tilespmem:$0x16400] =	vst v63  }
0xae: {  	v0 =	vld [tilespmem:s17+$0xFFFFFF50];
	_ =	sdelay $0x7  }
0xaf: {  	[tilespmem:s12], [sflag:$0x1] =	stream.indirect_vreg.gather [hbm4b:s3+s2], $0x80, v0, vm0, $0xb8;
	[tilespmem:$0x16400] =	vst v63  }
0xb0: {  	v0 =	vld [tilespmem:s17+$0xFFFFFF60];
	_ =	sdelay $0x7  }
0xb1: {  	[tilespmem:s13], [sflag:$0x1] =	stream.indirect_vreg.gather [hbm4b:s3+s2], $0x80, v0, vm0, $0xb8;
	[tilespmem:$0x16400] =	vst v63  }
0xb2: {  	v0 =	vld [tilespmem:s17+$0xFFFFFF70];
	_ =	sdelay $0x7  }
0xb3: {  	[tilespmem:s14], [sflag:$0x1] =	stream.indirect_vreg.gather [hbm4b:s3+s2], $0x80, v0, vm0, $0xb8;
	[tilespmem:$0x16400] =	vst v63  }
0xb4: {  	v0 =	vld [tilespmem:s17+$0xFFFFFF80];
	_ =	sdelay $0x7  }
0xb5: {  	[tilespmem:s15], [sflag:$0x1] =	stream.indirect_vreg.gather [hbm4b:s3+s2], $0x80, v0, vm0, $0xb8;
	[tilespmem:$0x16400] =	vst v63  }
0xb6: {  	_ =	swait.ge [sflag:s7], $0x4000  }
0xb7: {  	[sflag:s7] =	ssyncset.done $0x0  }
0xb8: {  	s25 =	sadd.s32 $0x2000, s20;
	[sflag:s7] =	ssyncadd.s32 $0xFFFFC000  }
0xb9: {  	[hbm4b:s25+s2] =	stream.linear.scatter [tilespmem:s23], [sflag:$0x2], $0x4000, $0x38;
	[tilespmem:$0x16400] =	vst v63  }
0xba: {  	_ =	swait.ge [sflag:s16], $0x4000  }
0xbb: {  	[sflag:s16] =	ssyncset.done $0x0  }
0xbc: {  	[sflag:s16] =	ssyncadd.s32 $0xFFFFC000  }
0xbd: {  	v63 =	vld [tilespmem:s17+$0xFFFFFF90];
	_ =	sdelay $0x7  }
0xbe: {  	[tilespmem:s8], [sflag:$0x1] =	stream.indirect_vreg.gather [hbm4b:s3+s2], $0x80, v63, vm0, $0xb8;
	[tilespmem:$0x16400] =	vst v63  }
0xbf: {  	v0 =	vld [tilespmem:s17+$0xFFFFFFA0];
	_ =	sdelay $0x7  }
0xc0: {  	[tilespmem:s11], [sflag:$0x1] =	stream.indirect_vreg.gather [hbm4b:s3+s2], $0x80, v0, vm0, $0xb8;
	[tilespmem:$0x16400] =	vst v63  }
0xc1: {  	v0 =	vld [tilespmem:s17+$0xFFFFFFB0];
	_ =	sdelay $0x6  }
0xc2: {  	s25 =	simm.s32 $0x13400  }
0xc3: {  	[tilespmem:s25], [sflag:$0x1] =	stream.indirect_vreg.gather [hbm4b:s3+s2], $0x80, v0, vm0, $0xb8;
	[tilespmem:$0x16400] =	vst v63  }
0xc4: {  	v0 =	vld [tilespmem:s17+$0xFFFFFFC0];
	_ =	sdelay $0x6  }
0xc5: {  	s25 =	simm.s32 $0x13C00  }
0xc6: {  	[tilespmem:s25], [sflag:$0x1] =	stream.indirect_vreg.gather [hbm4b:s3+s2], $0x80, v0, vm0, $0xb8;
	[tilespmem:$0x16400] =	vst v63  }
0xc7: {  	v0 =	vld [tilespmem:s17+$0xFFFFFFD0];
	_ =	sdelay $0x6  }
0xc8: {  	s25 =	simm.s32 $0x14400  }
0xc9: {  	[tilespmem:s25], [sflag:$0x1] =	stream.indirect_vreg.gather [hbm4b:s3+s2], $0x80, v0, vm0, $0xb8;
	[tilespmem:$0x16400] =	vst v63  }
0xca: {  	v0 =	vld [tilespmem:s17+$0xFFFFFFE0];
	_ =	sdelay $0x6  }
0xcb: {  	s25 =	simm.s32 $0x14C00  }
0xcc: {  	[tilespmem:s25], [sflag:$0x1] =	stream.indirect_vreg.gather [hbm4b:s3+s2], $0x80, v0, vm0, $0xb8;
	[tilespmem:$0x16400] =	vst v63  }
0xcd: {  	v0 =	vld [tilespmem:s17+$0xFFFFFFF0];
	_ =	sdelay $0x6  }
0xce: {  	s25 =	simm.s32 $0x15400  }
0xcf: {  	[tilespmem:s25], [sflag:$0x1] =	stream.indirect_vreg.gather [hbm4b:s3+s2], $0x80, v0, vm0, $0xb8;
	[tilespmem:$0x16400] =	vst v63  }
0xd0: {  	v0 =	vld [tilespmem:s17+$0x0];
	_ =	sdelay $0x6  }
0xd1: {  	p0 =	sne.s32 s18, $0x60000;
	s25 =	simm.s32 $0x15C00  }
0xd2: {  	[tilespmem:s25], [sflag:$0x1] =	stream.indirect_vreg.gather [hbm4b:s3+s2], $0x80, v0, vm0, $0xb8;
	[tilespmem:$0x16400] =	vst v63  }
.Ltmp0:
0xd3: {  	_ =	swait.ge [sflag:s7], $0x4000;
	(pc) =	sbr.rel @p0 .LBB2_2-.Ltmp0, $4  }
0xd4: {  	[sflag:s7] =	ssyncset.done $0x0  }
0xd5: {  	s21 =	simm.s32 $0x7400;
	s20 =	sadd.s32 $0x2800, s20;
	[sflag:s7] =	ssyncadd.s32 $0xFFFFC000  }
0xd6: {  	[hbm4b:s20+s2] =	stream.linear.scatter [tilespmem:s19], [sflag:$0x2], $0x4000, $0x38;
	[tilespmem:$0x16400] =	vst v63  }
0xd7: {  	s18 =	sadd.s32 $0x2000, s18;
	s17 =	sadd.s32 $0x200, s17;
	s20 =	simm.s32 $0x6C00  }
0xd8: {  	_ =	swait.ge [sflag:s16], $0x4000  }
0xd9: {  	[sflag:s16] =	ssyncset.done $0x0  }
0xda: {  	[sflag:s16] =	ssyncadd.s32 $0xFFFFC000  }
0xdb: {  	_ =	swait.ge [sflag:s7], $0x4000  }
0xdc: {  	[sflag:s7] =	ssyncset.done $0x0  }
0xdd: {  	s17 =	rddreg [dreg:$0x7];
	[sflag:s7] =	ssyncadd.s32 $0xFFFFC000  }
0xde: {  	[hbm4b:s17+s2] =	stream.linear.scatter [tilespmem:s28], [sflag:$0x2], $0x4000, $0x38;
	[tilespmem:$0x16400] =	vst v63  }
0xdf: {  	_ =	swait.ge [sflag:s16], $0x4000  }
0xe0: {  	[sflag:s16] =	ssyncset.done $0x0  }
0xe1: {  	[sflag:s16] =	ssyncadd.s32 $0xFFFFC000  }
0xe2: {  	_ =	swait.ge [sflag:s7], $0x4000  }
0xe3: {  	[sflag:s7] =	ssyncset.done $0x0  }
0xe4: {  	s25 =	rddreg [dreg:$0x8];
	[sflag:s7] =	ssyncadd.s32 $0xFFFFC000  }
0xe5: {  	[hbm4b:s25+s2] =	stream.linear.scatter [tilespmem:s8], [sflag:$0x2], $0x4000, $0x38;
	[tilespmem:$0x16400] =	vst v63  }
0xe6: {  	_ =	swait.ge [sflag:s16], $0x4000  }
0xe7: {  	s18 =	simm.s32 $0x7C00;
	[sflag:s16] =	ssyncset.done $0x0  }
0xe8: {  	s22 =	simm.s32 $0x8400;
	s23 =	simm.s32 $0x8C00;
	[sflag:s16] =	ssyncadd.s32 $0xFFFFC000  }
0xe9: {  	s24 =	simm.s32 $0x9400;
	s29 =	simm.s32 $0xB400;
	_ =	swait.ge [sflag:s16], $0x4000  }
0xea: {  	s30 =	simm.s32 $0xBC00;
	s1 =	simm.s32 $0xCC00;
	s0 =	rddreg [dreg:$0xa]  }
0xeb: {  	s4 =	simm.s32 $0xD400;
	s26 =	rddreg [dreg:$0x9];
	s0 =	sadd.s32 $0x1, s0  }
0xec: {  	s6 =	simm.s32 $0xDC00;
	s9 =	simm.s32 $0xEC00;
	p0 =	sne.s32 s0, s26  }
.Ltmp1:
0xed: {  	s5 =	simm.s32 $0xF400;
	s10 =	simm.s32 $0xFC00;
	(pc) =	sbr.rel @p0 .LBB2_1-.Ltmp1, $4  }
0xee: {  	s12 =	simm.s32 $0x10400;
	s13 =	simm.s32 $0x10C00;
	s14 =	simm.s32 $0x11400  }
0xef: {  	s15 =	simm.s32 $0x11C00;
	s11 =	simm.s32 $0x12C00;
	[sflag:s16] =	ssyncset.done $0x0  }
0xf0: {  	s31 =	simm.s32 $0x6400;
	s25 =	simm.s32 $0x9C00;
	[sflag:s16] =	ssyncadd.s32 $0xFFFFC000  }
0xf1: {  	[dreg:$0xa] =	wrdreg s0;
	s26 =	simm.s32 $0xAC00;
	s0 =	simm.s32 $0xC400  }
0xf2: {  	_ =	sfence.sel $0x180000  }
0xf3: {  	[bflag:$0x0] =	sbarrier.arrive $0xFFFF  }
0xf4: {  	_ =	strace $0x90000047  }
0xf5: {  	s0 =	stileid.u32;
	[bflag:$0x2] =	sbarrier.arrive $0xFFFF  }
0xf6: {  	p0 =	sne.s32 s0, $0x0;
	s0 =	rddreg [dreg:$0x2]  }
0xf7: {  	s0 =	sadd.s32 @!p0 $0x100000, s0  }
0xf8: {  	[sflag:s0] =	ssyncadd.tile.s32 @!p0 $0x1;
	_ =	shalt  }
.Lfunc_end2:
_tile_overlayer_lowered:
.L_overlay_start_2:
0xf9: {  	(tag) =	ssettag $0x2  }
0xfa: {  	s0 =	rddreg [dreg:$0x0];
	s2 =	stileid.u32  }
0xfb: {  	s1 =	rddreg [dreg:$0x1];
	p0 =	sne.s32 s2, $0x0  }
0xfc: {  	s3 =	rddreg [dreg:$0x2];
	[bflag:$0x3] =	sbarrier.arrive $0xFFFF;
	s2 =	simm.s32 @!p0 $0x1C03  }
0xfd: {  	[timem:s3], [sflag:s2] =	dma.local @!p0 [hbm:s0], s1  }
0xfe: {  	s0 =	simm.s32 @!p0 $0x3  }
0xff: {  	_ =	swait.ge @!p0 [sflag:s0], s1  }
0x100: {  	s1 =	ssub.s32 @!p0 $0x0, s1;
	[sflag:s0] =	ssyncset.done @!p0 $0x0  }
0x101: {  	[sflag:s0] =	ssyncadd.s32 @!p0 s1  }
0x102: {  	[bflag:$0x3] =	sbarrier.arrive $0xFFFF  }
0x103: {  	_ =	shalt  }

// kernel: sparse-core-data-format-call.cloned.1.call-start
scs
called_computation_lowered:
.L_overlay_start_0:
0x0: {  	s2 =	sld [smem:$0x3FD9]  }
0x1: {  	s3 =	sld [smem:$0x3FFE];
	_ =	sdelay $0x1  }
0x2: {  	s1 =	srdreg.scid  }
0x3: {  	s0 =	sand.u32 $0x1, s1  }
0x4: {  	s18 =	sshll.u32 s0, $0xA;
	s2 =	sadd.s32 s3, s2  }
0x5: {  	s2 =	sadd.s32 s2, s18  }
0x6: {  	[smem:$0x3FC6] =	sst s2  }
0x7: {  	_ = 	snop  }
0x8: {  	s2 =	sld [smem:$0x3FD0];
	(tm) =	ssettm $0x1  }
0x9: {  	s19 =	sld [smem:$0x3FFB];
	_ =	sdelay $0x3  }
0xa: {  	_ =	strace s19  }
0xb: {  	s3 =	sld [smem:$0x3FFC];
	_ =	sdelay $0x3  }
0xc: {  	_ =	strace s3  }
0xd: {  	s3 =	sld [smem:$0x3FFD];
	_ =	sdelay $0x3  }
0xe: {  	_ =	strace s3  }
0xf: {  	_ =	strace $0x8FFFFFFF  }
0x10: {  	s20 =	sld [smem:$0x3FDB];
	_ =	sdelay $0x1  }
0x11: {  	s4 =	simm.s32 $_scs_section_size  }
0x12: {  	s5 =	simm.s32 $_size__tile_overlayer_lowered;
	s6 =	simm.s32 $_tile_overlayer_lowered  }
0x13: {  	s23 =	simm.s32 $0x1BFF;
	s22 =	sshll.u32 s6, $0x1;
	s3 =	sadd.s32 s4, s20  }
0x14: {  	s7 =	simm.s32 $0x0;
	s21 =	sshll.u32 s5, $0x1;
	s5 =	sadd.s32 s22, s3  }
0x15: {  	[timem:s7], [sflag:s23] =	dma.local [hbm:s5], s21  }
0x16: {  	_ =	swait.ge [sflag:s23], s21  }
0x17: {  	s4 =	ssub.s32 $0x0, s21;
	[sflag:s23] =	ssyncset.done $0x0  }
0x18: {  	[sflag:s23] =	ssyncadd.s32 s4;
	_ =	sdelay $0x1  }
0x19: {  	s24 =	simm.s32 $0x1B8B  }
0x1a: {  	_ =	swait.ge [sflag:s24], $0x1  }
0x1b: {  	[sflag:s24] =	ssyncset.done $0x0  }
0x1c: {  	s26 =	simm.s32 $0x1B8E;
	s25 =	sld [smem:$0x3FFE];
	[sflag:s24] =	ssyncadd.s32 $0xFFFFFFFF  }
0x1d: {  	s27 =	simm.s32 $execute0_lowered;
	[smem:$0x3FD2] =	sst s26  }
0x1e: {  	s5 =	sshll.u32 s27, $0x1;
	_ =	strace $0x80000049;
	[dreg:$0x1] =	wrdreg $0xFFFFFFFF  }
0x1f: {  	s28 =	simm.s32 $_size_execute0_lowered;
	s3 =	sadd.s32 s3, s5;
	[dreg:$0x0] =	wrdreg $0x0  }
0x20: {  	s5 =	sshll.u32 s28, $0x1;
	[dreg:$0x2] =	wrdreg s3  }
0x21: {  	[dreg:$0x3] =	wrdreg s5  }
0x22: {  	[dreg:$0x4] =	wrdreg $0xC0  }
0x23: {  	_ =	task [dreg:s7], $0x5FFFF  }
0x24: {  	[dreg:$0x1] =	wrdreg $0xFFFFFFFF  }
0x25: {  	[dreg:$0x0] =	wrdreg $0x60  }
0x26: {  	[dreg:$0x2] =	wrdreg s25  }
0x27: {  	[dreg:$0x3] =	wrdreg s2  }
0x28: {  	[dreg:$0x4] =	wrdreg $0x9  }
0x29: {  	_ =	task.clear_ibuf [dreg:s7], $0x5FFFF;
	_ =	strace $0x90000049  }
0x2a: {  	s29 =	simm.s32 $0x9;
	_ =	strace $0x8000004B  }
0x2b: {  	_ =	swait.ge [sflag:s29], $0x1  }
0x2c: {  	[sflag:s29] =	ssyncadd.s32 $0xFFFFFFFF  }
0x2d: {  	_ =	strace $0x9000004B  }
0x2e: {  	_ =	sfence  }
0x2f: {  	s30 =	sld [smem:$0x0];
	_ =	sdelay $0x2  }
0x30: {  	s31 =	sshll.u32 s1, $0xD;
	s1 =	sshrl.u32 s1, $0x2  }
0x31: {  	s3 =	sand.u32 $0x4000, s31;
	s1 =	sadd.s32 s1, s30  }
0x32: {  	s0 =	sor.u32 s3, s0;
	s1 =	sshll.u32 s1, $0x11  }
0x33: {  	s0 =	sor.u32 s1, s0  }
0x34: {  	s0 =	sadd.s32 $0x8F2B, s0  }
0x35: {  	[sflag:s0] =	ssyncadd.remote.s32 $0x1  }
0x36: {  	_ =	sfence.sel $0xFFFF  }
0x37: {  	[dreg:$0x0] =	wrdreg $0xFFFFFFFF;
	(pc) =	sbr.abs _section_cstart, $3  }
0x38: {  	[dreg:$0x1] =	wrdreg $0xFFFFFFFF  }
0x39: {  	_ =	task.clear_ibuf [dreg:s7], $0x2FFFF;
	_ =	strace $0x9FFFFFFF  }
0x3a: {  	(tm) =	ssettm $0x7FFFFFFF  }
0x3b: {  	_ =	shalt  }
tec
execute0_lowered:
.L_overlay_start_1:
0x0: {  	(tag) =	ssettag $0x1  }
0x1: {  	s0 =	srdreg.scid  }
0x2: {  	s1 =	sshll.u32 s0, $0x4  }
0x3: {  	s0 =	stileid.u32;
	s1 =	sand.u32 $0x10, s1  }
0x4: {  	s1 =	sor.u32 s0, s1  }
0x5: {  	s6 =	rddreg [dreg:$0x0];
	s4 =	simm.s32 $0x1;
	s2 =	sshll.u32 s1, $0x7  }
0x6: {  	s7 =	simm.s32 $0x2;
	s12 =	simm.s32 $0x0;
	s1 =	ssub.s32 $0x1000, s2  }
0x7: {  	s8 =	simm.s32 $0x8000;
	s13 =	simm.s32 $0x0;
	s3 =	sand.u32 $0xF80, s1  }
0x8: {  	s9 =	simm.s32 $0x0;
	s5 =	sshrl.u32 s1, $0xC;
	p0 =	sne.s32 s3, $0x0  }
.Ltmp0:
0x9: {  	s1 =	rddreg [dreg:$0x2];
	s4 =	simm.s32 @!p0 $0x0;
	(pc) =	sbr.rel .LBB1_1-.Ltmp0, $4  }
0xa: {  	s11 =	simm.s32 $0x0;
	s3 =	rddreg [dreg:$0x1];
	s5 =	sadd.s32 s4, s5  }
0xb: {  	_ =	strace $0x8000004A;
	s4 =	simm.s32 $0x1;
	s5 =	smul.u32 $0xC8, s5  }
0xc: {  	s6 =	sadd.s32 $0xA00, s6;
	s10 =	smov.u32 s2;
	[sflag:s4] =	ssyncpa.u1 $0x0  }
0xd: {  	p0 =	por $0x0, $0x0;
	[sflag:s7] =	ssyncpa.u1 $0x0;
	s7 =	sor.u32 $0x1, s5  }
.LBB1_4:
0xe: {  	s16 =	sshll.u32 s13, $0x3;
	s17 =	sand.u32 $0x78, s13  }
0xf: {  	s30 =	sand.u32 $0x7E00, s13;
	s12 =	sshll.u32 s12, $0xF;
	s16 =	sand.u32 $0xC00, s16  }
0x10: {  	[tilespmem:s15+$0x810 ss:$0x81] =	vst.msk $0xffff, v2;
	s31 =	sand.u32 $0x7, s13;
	s16 =	sor.u32 s17, s16;
	s17 =	sadd.s32 s3, s30  }
0x11: {  	[tilespmem:s15+$0x1020 ss:$0x81] =	vst.msk $0xffff, v0;
	s13 =	sshll.u32 s31, $0x12;
	s12 =	sadd.s32 s12, s17;
	s16 =	sshrl.u32 s16, $0x3  }
0x12: {  	[tilespmem:s15+$0x0 ss:$0x81] =	vst.msk $0xffff, v1;
	s13 =	sor.u32 $0x400, s13;
	s12 =	sadd.s32 s16, s12  }
0x13: {  	[hbm4b:s12+s13] =	stream.strided.scatter [tilespmem:s14], [sflag:$0x2], $0x2000, s8, s13, $0x20;
	[tilespmem:$0x8080] =	vst v63  }
.LBB1_5:
0x14: {  	s14 =	sadd.s32 $0x1, s9  }
0x15: {  	s12 =	sadd.s32 $0x1000, s10;
	s16 =	smov.u32 s10;
	p2 =	sgt.s32 s14, $0xC7  }
0x16: {  	s16 =	smov.u32 @p2 s12  }
0x17: {  	s14 =	simm.s32 @p2 $0x0;
	p2 =	sgt.s32 s16, $0xFFF  }
0x18: {  	s16 =	smov.u32 @p2 s2;
	p2 =	sne.s32 s11, s7  }
.Ltmp1:
0x19: {  	p1 =	slt.u32 s11, $0x2;
	(pc) =	sbr.rel @!p2 .LBB1_6-.Ltmp1, $4  }
0x1a: {  	s15 =	simm.s32 @!p1 $0x2  }
0x1b: {  	s13 =	smov.u32 s10;
	p0 =	por !p0, !p0;
	_ =	swait.ge @!p1 [sflag:s15], $0x2000  }
0x1c: {  	s12 =	smov.u32 s9;
	[sflag:s15] =	ssyncset.done @!p1 $0x0;
	s9 =	smov.u32 s14  }
0x1d: {  	s11 =	sadd.s32 $0x1, s11;
	[sflag:s15] =	ssyncadd.s32 @!p1 $0xFFFFE000;
	s10 =	smov.u32 s16  }
.LBB1_1:
0x1e: {  	p1 =	sge.u32 s11, s5  }
0x1f: {  	s14 =	sand.u32 @!p1 $0x1FFFFFF, s9  }
0x20: {  	s15 =	smulhi.u32 @!p1 $0x147AE15, s14;
	_ =	sdelay $0x1  }
0x21: {  	s15 =	smul.u32 @!p1 $0xC8, s15  }
0x22: {  	s16 =	sxor.u32 @!p1 $0xFFFFFFFF, s11;
	s17 =	smul.u32 @!p1 $0xC80, s10  }
0x23: {  	s31 =	sadd.s32 $0xFFFFFFFF, s11;
	s16 =	sshll.u32 @!p1 s16, $0xD;
	s14 =	ssub.s32 @!p1 s14, s15  }
0x24: {  	s15 =	sand.u32 @!p1 $0x2000, s16;
	s16 =	sadd.s32 @!p1 s6, s17;
	s14 =	sshll.u32 @!p1 s14, $0x4  }
0x25: {  	s17 =	simm.s32 @!p1 $0x6400;
	s14 =	sadd.s32 @!p1 s14, s16;
	s16 =	simm.s32 @!p1 $0x40  }
0x26: {  	[tilespmem:s15], [sflag:$0x1] =	stream.strided.gather @!p1 [hbm4b:s14+s16], $0x2000, s17, s16, $0x38;
	[tilespmem:$0x8080] =	vst v63  }
0x27: {  	p1 =	sge.u32 s31, s5  }
.Ltmp2:
0x28: {  	_ = 	snop;
	(pc) =	sbr.rel @p1 .LBB1_5-.Ltmp2, $1  }
0x29: {  	_ =	sdelay $0x3  }
0x2a: {  	s14 =	simm.s32 $0x1  }
0x2b: {  	_ =	swait.ge [sflag:s4], $0x2000;
	s14 =	simm.s32 @!p0 $0x0  }
0x2c: {  	[sflag:s4] =	ssyncset.done $0x0;
	s15 =	sshll.u32 s14, $0xD  }
0x2d: {  	[sflag:s4] =	ssyncadd.s32 $0xFFFFE000;
	s18 =	sor.u32 $0x20, s15  }
0x2e: {  	s14 =	smul.u32 $0x8100, s14;
	v3 =	vld [tilespmem:s18+$0x10]  }
0x2f: {  	s30 =	sand.u32 $0x1, s11;
	v2 =	vld [tilespmem:s18+$0xFFFFFFF0]  }
0x30: {  	s15 =	smul.u32 $0x8100, s30;
	s14 =	sshrl.u32 s14, $0x2;
	v0 =	vld [tilespmem:s18+$0x0]  }
0x31: {  	v1 =	vld [tilespmem:s18+$0xFFFFFFE0];
	s16 =	sor.u32 $0x4000, s14  }
0x32: {  	s31 =	sshrl.u32 s15, $0x2;
	s15 =	sadd.s32 $0x0, s16  }
0x33: {  	s17 =	simm.s32 $0x4;
	s18 =	sadd.s32 $0x40, s18;
	s14 =	sor.u32 $0x4000, s31;
	[tilespmem:s15+$0x1830 ss:$0x81] =	vst.msk $0xffff, v3  }
.LBB1_3:
0x34: {  	v3 =	vld [tilespmem:s18+$0x10];
	p1 =	sne.s32 s17, $0x1FC;
	[tilespmem:s15+$0x810 ss:$0x81] =	vst.msk $0xffff, v2;
	s19 =	smov.u32 s17;
	s17 =	sadd.s32 $0x4, s17  }
.Ltmp3:
0x35: {  	v2 =	vld [tilespmem:s18+$0xFFFFFFF0];
	[tilespmem:s15+$0x1020 ss:$0x81] =	vst.msk $0xffff, v0;
	(pc) =	sbr.rel @p1 .LBB1_3-.Ltmp3, $4  }
0x36: {  	v0 =	vld [tilespmem:s18+$0x0];
	[tilespmem:s15+$0x0 ss:$0x81] =	vst.msk $0xffff, v1  }
0x37: {  	s15 =	sshra.s32 s19, $0x2;
	v1 =	vld [tilespmem:s18+$0xFFFFFFE0]  }
0x38: {  	s15 =	sadd.s32 s15, s16  }
0x39: {  	s18 =	sadd.s32 $0x40, s18;
	[tilespmem:s15+$0x1830 ss:$0x81] =	vst.msk $0xffff, v3  }
.Ltmp4:
0x3a: {  	_ = 	snop;
	(pc) =	sbr.rel .LBB1_4-.Ltmp4, $1  }
0x3b: {  	_ =	sdelay $0x3  }
.LBB1_6:
0x3c: {  	_ =	sfence.sel $0x180000  }
0x3d: {  	s2 =	simm.s32 $0x1;
	[bflag:$0x0] =	sbarrier.arrive $0xFFFF  }
0x3e: {  	s31 =	simm.s32 $0x2;
	[sflag:s2] =	ssyncpa.u1 $0x1  }
0x3f: {  	[sflag:s31] =	ssyncpa.u1 $0x1  }
0x40: {  	p0 =	sne.s32 s0, $0x0;
	_ =	strace $0x9000004A  }
0x41: {  	s0 =	sadd.s32 @!p0 $0x100000, s1;
	[bflag:$0x2] =	sbarrier.arrive $0xFFFF  }
0x42: {  	[sflag:s0] =	ssyncadd.tile.s32 @!p0 $0x1;
	_ =	shalt  }
.Lfunc_end1:
_tile_overlayer_lowered:
.L_overlay_start_2:
0x43: {  	(tag) =	ssettag $0x2  }
0x44: {  	s0 =	rddreg [dreg:$0x0];
	s2 =	stileid.u32  }
0x45: {  	s1 =	rddreg [dreg:$0x1];
	p0 =	sne.s32 s2, $0x0  }
0x46: {  	s3 =	rddreg [dreg:$0x2];
	[bflag:$0x3] =	sbarrier.arrive $0xFFFF;
	s2 =	simm.s32 @!p0 $0x1C01  }
0x47: {  	[timem:s3], [sflag:s2] =	dma.local @!p0 [hbm:s0], s1  }
0x48: {  	s0 =	simm.s32 @!p0 $0x1  }
0x49: {  	_ =	swait.ge @!p0 [sflag:s0], s1  }
0x4a: {  	s1 =	ssub.s32 @!p0 $0x0, s1;
	[sflag:s0] =	ssyncset.done @!p0 $0x0  }
0x4b: {  	[sflag:s0] =	ssyncadd.s32 @!p0 s1  }
0x4c: {  	[bflag:$0x3] =	sbarrier.arrive $0xFFFF  }
0x4d: {  	_ =	shalt  }

</sc_bundles>
